<compile_context>
chip_gen: v7x
topology: tpu7x:2x2x1
jax: 0.10.2.dev20260603
libtpu: 0.0.44.dev20260713+nightly
codegen_flags: <defaults>
</compile_context>

<pallas_src>
import functools

import jax
import jax.numpy as jnp
from jax.experimental import pallas as pl
from jax.experimental.pallas import tpu as pltpu


_B, _N, _NCLS = 8, 4096, 13


def _sqdist(src, dst):
    return (jnp.sum(src ** 2, -1)[:, :, None] + jnp.sum(dst ** 2, -1)[:, None, :]
            - 2.0 * jnp.matmul(src, dst.transpose(0, 2, 1)))


def _idx_pts(points, idx):
    b = points.shape[0]
    batch = jnp.arange(b).reshape((b,) + (1,) * (idx.ndim - 1))
    return points[batch, idx]


def _fps_body(s, x_ref, y_ref, z_ref, jf_ref, idx_ref):
    b, n = x_ref.shape
    x = x_ref[...]
    y = y_ref[...]
    z = z_ref[...]
    jf = jf_ref[...]
    iota = jax.lax.broadcasted_iota(jnp.int32, (b, n), 1)
    slot = jax.lax.broadcasted_iota(jnp.int32, (b, s), 1)

    def body(i, carry):
        dist, far, oi = carry
        sel = iota == far
        cx = jnp.sum(jnp.where(sel, x, 0.0), axis=1, keepdims=True)
        cy = jnp.sum(jnp.where(sel, y, 0.0), axis=1, keepdims=True)
        cz = jnp.sum(jnp.where(sel, z, 0.0), axis=1, keepdims=True)
        far_f = jnp.sum(jnp.where(sel, jf, 0.0), axis=1, keepdims=True)
        oi = jnp.where(slot == i, far_f, oi)
        dx = x - cx
        dy = y - cy
        dz = z - cz
        d = (dx * dx + dy * dy) + dz * dz
        dist = jnp.minimum(dist, d)
        md = jnp.max(dist, axis=1, keepdims=True)
        far = jnp.min(jnp.where(dist == md, iota, n), axis=1, keepdims=True)
        return dist, far, oi

    _, _, oi = jax.lax.fori_loop(
        0, s, body,
        (jnp.full((b, n), 1e10, jnp.float32), jnp.zeros((b, 1), jnp.int32),
         jnp.zeros((b, s), jnp.float32)))
    idx_ref[...] = oi.astype(jnp.int32)


def _fps_xla(xyz, npoint):
    b, n, _ = xyz.shape
    def body(i, state):
        centroids, distance, farthest = state
        centroids = centroids.at[:, i].set(farthest)
        centroid = _idx_pts(xyz, farthest[:, None])
        dist = jnp.sum((xyz - centroid) ** 2, -1)
        distance = jnp.minimum(distance, dist)
        farthest = jnp.argmax(distance, -1).astype(jnp.int32)
        return centroids, distance, farthest
    init = (jnp.zeros((b, npoint), jnp.int32), jnp.full((b, n), 1e10, jnp.float32),
            jnp.zeros((b,), jnp.int32))
    centroids, _, _ = jax.lax.fori_loop(0, npoint, body, init)
    return centroids


def _fps_idx(x, y, z, npoint):
    b, n = x.shape
    jf = jnp.broadcast_to(jnp.arange(n, dtype=jnp.float32), (b, n))
    return pl.pallas_call(
        functools.partial(_fps_body, npoint),
        out_shape=jax.ShapeDtypeStruct((b, npoint), jnp.int32),
    )(x, y, z, jf)


def _ball(radius, nsample, xyz, new_xyz):
    b, n, _ = xyz.shape
    s = new_xyz.shape[1]
    sqrdists = _sqdist(new_xyz, xyz)
    group_idx = jnp.broadcast_to(jnp.arange(n, dtype=jnp.int32), (b, s, n))
    group_idx = jnp.where(sqrdists > radius ** 2, n, group_idx)
    group_idx = jnp.sort(group_idx, axis=-1)[:, :, :nsample]
    group_first = group_idx[:, :, :1]
    group_idx = jnp.where(group_idx == n, group_first, group_idx)
    return group_idx


def _convbn2(p, x):
    x = jnp.einsum('oc,bcks->boks', p['W'], x) + p['b'][None, :, None, None]
    mean = jnp.mean(x, axis=(0, 2, 3), keepdims=True)
    var = jnp.var(x, axis=(0, 2, 3), keepdims=True)
    x = (x - mean) / jnp.sqrt(var + 1e-5)
    x = x * p['gamma'][None, :, None, None] + p['beta'][None, :, None, None]
    return jax.nn.relu(x)


def _convbn1(p, x):
    x = jnp.einsum('oc,bcn->bon', p['W'], x) + p['b'][None, :, None]
    mean = jnp.mean(x, axis=(0, 2), keepdims=True)
    var = jnp.var(x, axis=(0, 2), keepdims=True)
    x = (x - mean) / jnp.sqrt(var + 1e-5)
    x = x * p['gamma'][None, :, None] + p['beta'][None, :, None]
    return jax.nn.relu(x)


def _sa(ps, xyz, points, new_xyz, radius, nsample, group_all):
    xyz_t = xyz.transpose(0, 2, 1)
    points_t = points.transpose(0, 2, 1)
    if group_all:
        new_xyz = jnp.zeros((xyz_t.shape[0], 1, 3), jnp.float32)
        new_points = jnp.concatenate([xyz_t[:, None], points_t[:, None]], -1)
    else:
        idx = _ball(radius, nsample, xyz_t, new_xyz)
        grouped_xyz = _idx_pts(xyz_t, idx) - new_xyz[:, :, None, :]
        grouped_points = _idx_pts(points_t, idx)
        new_points = jnp.concatenate([grouped_xyz, grouped_points], -1)
    x = new_points.transpose(0, 3, 2, 1)
    for p in ps:
        x = _convbn2(p, x)
    x = jnp.max(x, axis=2)
    return new_xyz.transpose(0, 2, 1), x


def _top3_body(a_ref, bt_ref, i_ref, d_ref):
    a = a_ref[0]
    bt = bt_ref[0]
    r = a.shape[0]
    s = bt.shape[1]
    af = a.astype(jnp.bfloat16).astype(jnp.float32)
    btf = bt.astype(jnp.bfloat16).astype(jnp.float32)
    m = ((af[:, 0:1] * btf[0:1, :] + af[:, 1:2] * btf[1:2, :])
         + af[:, 2:3] * btf[2:3, :])
    a2 = (a[:, 0:1] * a[:, 0:1] + a[:, 1:2] * a[:, 1:2]) + a[:, 2:3] * a[:, 2:3]
    b2 = (bt[0:1, :] * bt[0:1, :] + bt[1:2, :] * bt[1:2, :]) + bt[2:3, :] * bt[2:3, :]
    d = (a2 + b2) - 2.0 * m
    iota = jax.lax.broadcasted_iota(jnp.int32, (r, s), 1)
    remaining = d
    picks = []
    vals = []
    for _ in range(3):
        m3 = jnp.min(remaining, axis=1, keepdims=True)
        pick = jnp.min(jnp.where(remaining == m3, iota, s), axis=1, keepdims=True)
        picks.append(pick)
        vals.append(m3)
        remaining = jnp.where(iota == pick, 1e30, remaining)
    i_ref[0] = jnp.concatenate(picks, axis=1)
    d_ref[0] = jnp.concatenate(vals, axis=1)


def _top3(xyz1_t, xyz2_t):
    b, n, _ = xyz1_t.shape
    s = xyz2_t.shape[1]
    a = jnp.pad(xyz1_t, ((0, 0), (0, 0), (0, 5)))
    bt = jnp.pad(xyz2_t, ((0, 0), (0, 0), (0, 5))).transpose(0, 2, 1)
    rblk = 512
    return pl.pallas_call(
        _top3_body,
        grid=(b, n // rblk),
        in_specs=[pl.BlockSpec((1, rblk, 8), lambda i, j: (i, j, 0)),
                  pl.BlockSpec((1, 8, s), lambda i, j: (i, 0, 0))],
        out_specs=[pl.BlockSpec((1, rblk, 3), lambda i, j: (i, j, 0)),
                   pl.BlockSpec((1, rblk, 3), lambda i, j: (i, j, 0))],
        out_shape=[jax.ShapeDtypeStruct((b, n, 3), jnp.int32),
                   jax.ShapeDtypeStruct((b, n, 3), jnp.float32)],
    )(a, bt)


def _fp(ps, xyz1, xyz2, points1, points2):
    xyz1_t = xyz1.transpose(0, 2, 1)
    xyz2_t = xyz2.transpose(0, 2, 1)
    points2_t = points2.transpose(0, 2, 1)
    n = xyz1_t.shape[1]
    s = xyz2_t.shape[1]
    if s == 1:
        interpolated = jnp.repeat(points2_t, n, axis=1)
    else:
        dists = _sqdist(xyz1_t, xyz2_t)
        idx = jnp.argsort(dists, axis=-1)[:, :, :3]
        d3 = jnp.take_along_axis(dists, idx, axis=-1)
        dist_recip = 1.0 / (d3 + 1e-8)
        norm = jnp.sum(dist_recip, axis=2, keepdims=True)
        weight = dist_recip / norm
        interpolated = jnp.sum(_idx_pts(points2_t, idx) * weight[..., None], axis=2)
    points1_t = points1.transpose(0, 2, 1)
    x = jnp.concatenate([points1_t, interpolated], -1).transpose(0, 2, 1)
    for p in ps:
        x = _convbn1(p, x)
    return x



_CN = 512


def _head_stats_body(x_ref, w1_ref, b1_ref, feat_ref, sum_ref, ssq_ref):
    i = pl.program_id(0)
    j = pl.program_id(1)
    x = x_ref[0]
    feat = jnp.dot(w1_ref[...], x, preferred_element_type=jnp.float32)
    feat = feat + b1_ref[...].reshape(128, 1)
    feat_ref[0] = feat
    s = jnp.sum(feat, axis=1).reshape(1, 128)
    q = jnp.sum(feat * feat, axis=1).reshape(1, 128)

    @pl.when(jnp.logical_and(i == 0, j == 0))
    def _init():
        sum_ref[...] = jnp.zeros_like(sum_ref)
        ssq_ref[...] = jnp.zeros_like(ssq_ref)

    sum_ref[...] += s
    ssq_ref[...] += q


def _head_norm_body(feat_ref, sum_ref, ssq_ref, g1_ref, be1_ref, w2_ref,
                    b2_ref, out_ref):
    cnt = float(_B * _N)
    mean = sum_ref[...] / cnt
    var = ssq_ref[...] / cnt - mean * mean
    scale = g1_ref[...].reshape(1, 128) / jnp.sqrt(var + 1e-5)
    shift = be1_ref[...].reshape(1, 128) - mean * scale
    feat = feat_ref[0]
    feat = feat * scale.reshape(128, 1) + shift.reshape(128, 1)
    feat = jnp.maximum(feat, 0.0)
    logits = jnp.dot(w2_ref[...], feat, preferred_element_type=jnp.float32)
    logits = logits + b2_ref[...].reshape(_NCLS, 1)
    m = jnp.max(logits, axis=0, keepdims=True)
    z = logits - m
    lse = jnp.log(jnp.sum(jnp.exp(z), axis=0, keepdims=True))
    out_ref[0] = (z - lse).T


def _head(h, x):
    grid = (_B, _N // _CN)
    feat, ssum, ssq = pl.pallas_call(
        _head_stats_body,
        grid=grid,
        in_specs=[
            pl.BlockSpec((1, 128, _CN), lambda i, j: (i, 0, j)),
            pl.BlockSpec((128, 128), lambda i, j: (0, 0)),
            pl.BlockSpec((128,), lambda i, j: (0,)),
        ],
        out_specs=[
            pl.BlockSpec((1, 128, _CN), lambda i, j: (i, 0, j)),
            pl.BlockSpec((1, 128), lambda i, j: (0, 0)),
            pl.BlockSpec((1, 128), lambda i, j: (0, 0)),
        ],
        out_shape=[
            jax.ShapeDtypeStruct((_B, 128, _N), jnp.float32),
            jax.ShapeDtypeStruct((1, 128), jnp.float32),
            jax.ShapeDtypeStruct((1, 128), jnp.float32),
        ],
    )(x, h['W1'], h['b1'])

    out = pl.pallas_call(
        _head_norm_body,
        grid=grid,
        in_specs=[
            pl.BlockSpec((1, 128, _CN), lambda i, j: (i, 0, j)),
            pl.BlockSpec((1, 128), lambda i, j: (0, 0)),
            pl.BlockSpec((1, 128), lambda i, j: (0, 0)),
            pl.BlockSpec((128,), lambda i, j: (0,)),
            pl.BlockSpec((128,), lambda i, j: (0,)),
            pl.BlockSpec((_NCLS, 128), lambda i, j: (0, 0)),
            pl.BlockSpec((_NCLS,), lambda i, j: (0,)),
        ],
        out_specs=pl.BlockSpec((1, _CN, _NCLS), lambda i, j: (i, j, 0)),
        out_shape=jax.ShapeDtypeStruct((_B, _N, _NCLS), jnp.float32),
    )(feat, ssum, ssq, h['gamma1'], h['beta1'], h['W2'], h['b2'])
    return out


def kernel(xyz, params):
    x = xyz.transpose(0, 2, 1)
    l0_xyz, l0_points = x, x
    xyz_t = xyz
    fi1 = _fps_idx(xyz[:, :, 0], xyz[:, :, 1], xyz[:, :, 2], 512)
    nx1 = _idx_pts(xyz_t, fi1)
    l1_xyz, l1_points = _sa(params['sa1'], l0_xyz, l0_points, nx1, 0.2, 32, False)
    fi2 = _fps_xla(nx1, 128)
    nx2 = _idx_pts(nx1, fi2)
    l2_xyz, l2_points = _sa(params['sa2'], l1_xyz, l1_points, nx2, 0.4, 64, False)
    l3_xyz, l3_points = _sa(params['sa3'], l2_xyz, l2_points, None, None, None, True)
    l2_points = _fp(params['fp3'], l2_xyz, l3_xyz, l2_points, l3_points)
    l1_points = _fp(params['fp2'], l1_xyz, l2_xyz, l1_points, l2_points)
    l0_points = _fp(params['fp1'], l0_xyz, l1_xyz, l0_points, l1_points)
    return _head(params['head'], l0_points)

# --- scband reference (transcript-rebuilt; emitter-appended) ---
"""Pipeline reference for scband-point-net2-26242250179269 (READ-ONLY COPY).

The authoritative reference and input builder live on the scoring server;
editing this copy changes nothing except your own understanding.
"""

import jax, jax.numpy as jnp
import numpy as np

B, N, NUM_CLASSES = 8, 4096, 13

def square_distance(src, dst):
    return (jnp.sum(src ** 2, -1)[:, :, None] + jnp.sum(dst ** 2, -1)[:, None, :]
            - 2.0 * jnp.matmul(src, dst.transpose(0, 2, 1)))

def index_points(points, idx):
    b = points.shape[0]
    batch = jnp.arange(b).reshape((b,) + (1,) * (idx.ndim - 1))
    return points[batch, idx]

def farthest_point_sample(xyz, npoint):
    b, n, _ = xyz.shape
    def body(i, state):
        centroids, distance, farthest = state
        centroids = centroids.at[:, i].set(farthest)
        centroid = index_points(xyz, farthest[:, None])
        dist = jnp.sum((xyz - centroid) ** 2, -1)
        distance = jnp.minimum(distance, dist)
        farthest = jnp.argmax(distance, -1).astype(jnp.int32)
        return centroids, distance, farthest
    init = (jnp.zeros((b, npoint), jnp.int32), jnp.full((b, n), 1e10, jnp.float32),
            jnp.zeros((b,), jnp.int32))
    centroids, _, _ = jax.lax.fori_loop(0, npoint, body, init)
    return centroids

def query_ball_point(radius, nsample, xyz, new_xyz):
    b, n, _ = xyz.shape
    s = new_xyz.shape[1]
    sqrdists = square_distance(new_xyz, xyz)
    group_idx = jnp.broadcast_to(jnp.arange(n, dtype=jnp.int32), (b, s, n))
    group_idx = jnp.where(sqrdists > radius ** 2, n, group_idx)
    group_idx = jnp.sort(group_idx, axis=-1)[:, :, :nsample]
    group_first = group_idx[:, :, :1]
    group_idx = jnp.where(group_idx == n, group_first, group_idx)
    return group_idx

def conv_bn_relu_2d(p, x):
    x = jnp.einsum('oc,bcks->boks', p['W'], x) + p['b'][None, :, None, None]
    mean = jnp.mean(x, axis=(0, 2, 3), keepdims=True)
    var = jnp.var(x, axis=(0, 2, 3), keepdims=True)
    x = (x - mean) / jnp.sqrt(var + 1e-5)
    x = x * p['gamma'][None, :, None, None] + p['beta'][None, :, None, None]
    return jax.nn.relu(x)

def conv_bn_relu_1d(p, x):
    x = jnp.einsum('oc,bcn->bon', p['W'], x) + p['b'][None, :, None]
    mean = jnp.mean(x, axis=(0, 2), keepdims=True)
    var = jnp.var(x, axis=(0, 2), keepdims=True)
    x = (x - mean) / jnp.sqrt(var + 1e-5)
    x = x * p['gamma'][None, :, None] + p['beta'][None, :, None]
    return jax.nn.relu(x)

def sa_forward(ps, xyz, points, npoint, radius, nsample, group_all):
    xyz_t = xyz.transpose(0, 2, 1)
    points_t = points.transpose(0, 2, 1)
    if group_all:
        new_xyz = jnp.zeros((xyz_t.shape[0], 1, 3), jnp.float32)
        new_points = jnp.concatenate([xyz_t[:, None], points_t[:, None]], -1)
    else:
        xyz_sg = jax.lax.stop_gradient(xyz_t)
        fps_idx = farthest_point_sample(xyz_sg, npoint)
        new_xyz = index_points(xyz_t, fps_idx)
        idx = query_ball_point(radius, nsample, xyz_sg, jax.lax.stop_gradient(new_xyz))
        grouped_xyz = index_points(xyz_t, idx) - new_xyz[:, :, None, :]
        grouped_points = index_points(points_t, idx)
        new_points = jnp.concatenate([grouped_xyz, grouped_points], -1)
    x = new_points.transpose(0, 3, 2, 1)
    for p in ps:
        x = conv_bn_relu_2d(p, x)
    x = jnp.max(x, axis=2)
    return new_xyz.transpose(0, 2, 1), x

def fp_forward(ps, xyz1, xyz2, points1, points2):
    xyz1_t = xyz1.transpose(0, 2, 1)
    xyz2_t = xyz2.transpose(0, 2, 1)
    points2_t = points2.transpose(0, 2, 1)
    n = xyz1_t.shape[1]
    s = xyz2_t.shape[1]
    if s == 1:
        interpolated = jnp.repeat(points2_t, n, axis=1)
    else:
        dists = square_distance(xyz1_t, xyz2_t)
        idx = jnp.argsort(dists, axis=-1)[:, :, :3]
        d3 = jnp.take_along_axis(dists, idx, axis=-1)
        dist_recip = 1.0 / (d3 + 1e-8)
        norm = jnp.sum(dist_recip, axis=2, keepdims=True)
        weight = dist_recip / norm
        interpolated = jnp.sum(index_points(points2_t, idx) * weight[..., None], axis=2)
    points1_t = points1.transpose(0, 2, 1)
    x = jnp.concatenate([points1_t, interpolated], -1).transpose(0, 2, 1)
    for p in ps:
        x = conv_bn_relu_1d(p, x)
    return x

def pointnet2_forward(xyz, params):
    x = xyz.transpose(0, 2, 1)
    l0_xyz, l0_points = x, x
    l1_xyz, l1_points = sa_forward(params['sa1'], l0_xyz, l0_points, 512, 0.2, 32, False)
    l2_xyz, l2_points = sa_forward(params['sa2'], l1_xyz, l1_points, 128, 0.4, 64, False)
    l3_xyz, l3_points = sa_forward(params['sa3'], l2_xyz, l2_points, None, None, None, True)
    l2_points = fp_forward(params['fp3'], l2_xyz, l3_xyz, l2_points, l3_points)
    l1_points = fp_forward(params['fp2'], l1_xyz, l2_xyz, l1_points, l2_points)
    l0_points = fp_forward(params['fp1'], l0_xyz, l1_xyz, l0_points, l1_points)
    h = params['head']
    feat = jnp.einsum('oc,bcn->bon', h['W1'], l0_points) + h['b1'][None, :, None]
    mean = jnp.mean(feat, axis=(0, 2), keepdims=True)
    var = jnp.var(feat, axis=(0, 2), keepdims=True)
    feat = (feat - mean) / jnp.sqrt(var + 1e-5)
    feat = feat * h['gamma1'][None, :, None] + h['beta1'][None, :, None]
    feat = jax.nn.relu(feat)
    logits = jnp.einsum('oc,bcn->bon', h['W2'], feat) + h['b2'][None, :, None]
    out = jax.nn.log_softmax(logits, axis=1)
    return out.transpose(0, 2, 1)

def make_params():
    key = jax.random.key(1)
    cnt = [0]
    def nk():
        cnt[0] += 1
        return jax.random.fold_in(key, cnt[0])
    def mlp(chs):
        ps = []
        for cin, cout in zip(chs[:-1], chs[1:]):
            ps.append({'W': 0.1 * jax.random.normal(nk(), (cout, cin), jnp.float32),
                       'b': jnp.zeros((cout,), jnp.float32),
                       'gamma': jnp.ones((cout,), jnp.float32),
                       'beta': jnp.zeros((cout,), jnp.float32)})
        return ps
    head = {'W1': 0.1 * jax.random.normal(nk(), (128, 128), jnp.float32),
            'b1': jnp.zeros((128,), jnp.float32),
            'gamma1': jnp.ones((128,), jnp.float32),
            'beta1': jnp.zeros((128,), jnp.float32),
            'W2': 0.1 * jax.random.normal(nk(), (NUM_CLASSES, 128), jnp.float32),
            'b2': jnp.zeros((NUM_CLASSES,), jnp.float32)}
    return {'sa1': mlp([6, 64, 64, 128]), 'sa2': mlp([131, 128, 128, 256]),
            'sa3': mlp([259, 256, 512, 1024]), 'fp3': mlp([1280, 256, 256]),
            'fp2': mlp([384, 256, 128]), 'fp1': mlp([131, 128, 128, 128]),
            'head': head}

def setup_inputs(seed: int = 0):
    key = jax.random.key(seed)
    xyz = jax.random.uniform(key, (B, N, 3), dtype=jnp.float32)
    return {'xyz': xyz, 'params': make_params()}

def reference(xyz, params):
    return pointnet2_forward(xyz, params)

if __name__ == "__main__":
    import jax
    _d = setup_inputs()
    print(jax.jit(kernel)(*tuple(_d.values())))

</pallas_src>

<mosaic_0001>
module attributes {stable_mosaic.version = 14 : i64} {
  func.func @_fps_body(%arg0: memref<8x4096xf32, #tpu.memory_space<vmem>>, %arg1: memref<8x4096xf32, #tpu.memory_space<vmem>>, %arg2: memref<8x4096xf32, #tpu.memory_space<vmem>>, %arg3: memref<8x4096xf32, #tpu.memory_space<vmem>>, %arg4: memref<8x512xi32, #tpu.memory_space<vmem>>) attributes {dimension_semantics = [], scalar_prefetch = 0 : i64, scratch_operands = 0 : i64, tpu.core_type = #tpu.core_type<tc>} {
    %get3A = arith.constant 0 : index
    %get3A_0 = arith.constant 0 : index
    %get3A_1 = vector.load %arg0[%get3A, %get3A_0] : memref<8x4096xf32, #tpu.memory_space<vmem>>, vector<8x4096xf32>
    %get3A_2 = arith.constant 0 : index
    %get3A_3 = arith.constant 0 : index
    %get3A_4 = vector.load %arg1[%get3A_2, %get3A_3] : memref<8x4096xf32, #tpu.memory_space<vmem>>, vector<8x4096xf32>
    %get3A_5 = arith.constant 0 : index
    %get3A_6 = arith.constant 0 : index
    %get3A_7 = vector.load %arg2[%get3A_5, %get3A_6] : memref<8x4096xf32, #tpu.memory_space<vmem>>, vector<8x4096xf32>
    %get3A_8 = arith.constant 0 : index
    %get3A_9 = arith.constant 0 : index
    %get3A_10 = vector.load %arg3[%get3A_8, %get3A_9] : memref<8x4096xf32, #tpu.memory_space<vmem>>, vector<8x4096xf32>
    %iota3A = tpu.iota {dimensions = array<i32: 1>} : vector<8x4096xi32>
    %iota3A_11 = tpu.iota {dimensions = array<i32: 1>} : vector<8x512xi32>
    %broadcast_in_dim3A = arith.constant 1.000000e+10 : f32
    %broadcast_in_dim3A_12 = vector.broadcast %broadcast_in_dim3A : f32 to vector<8x4096xf32>
    %broadcast_in_dim3A_13 = arith.constant 0 : i32
    %broadcast_in_dim3A_14 = vector.broadcast %broadcast_in_dim3A_13 : i32 to vector<8x1xi32>
    %broadcast_in_dim3A_15 = arith.constant 0.000000e+00 : f32
    %broadcast_in_dim3A_16 = vector.broadcast %broadcast_in_dim3A_15 : f32 to vector<8x512xf32>
    %scan3A = arith.constant 0 : i32
    %scan3A_17 = arith.constant 512 : i32
    %scan3A_18 = arith.addi %scan3A, %scan3A_17 : i32
    %scan3A_19 = arith.constant 1 : i32
    %scan3A_20:3 = scf.for %scan3A_24 = %scan3A to %scan3A_18 step %scan3A_19 iter_args(%scan3A_25 = %broadcast_in_dim3A_12, %scan3A_26 = %broadcast_in_dim3A_14, %scan3A_27 = %broadcast_in_dim3A_16) -> (vector<8x4096xf32>, vector<8x1xi32>, vector<8x512xf32>)  : i32 {
      %eq3A = vector.broadcast %scan3A_26 : vector<8x1xi32> to vector<8x4096xi32>
      %eq3A_28 = arith.cmpi eq, %iota3A, %eq3A : vector<8x4096xi32>
      %jit3A = arith.constant 0.000000e+00 : f32
      %broadcast_in_dim3A_29 = vector.broadcast %jit3A : f32 to vector<8x4096xf32>
      %select_n3A = arith.select %eq3A_28, %get3A_1, %broadcast_in_dim3A_29 : vector<8x4096xi1>, vector<8x4096xf32>
      %reduce_sum3A = arith.constant dense<0.000000e+00> : vector<8xf32>
      %reduce_sum3A_30 = vector.multi_reduction <add>, %select_n3A, %reduce_sum3A [1] : vector<8x4096xf32> to vector<8xf32>
      %broadcast_in_dim3A_31 = vector.shape_cast %reduce_sum3A_30 : vector<8xf32> to vector<8x1xf32>
      %jit3A_32 = arith.constant 0.000000e+00 : f32
      %broadcast_in_dim3A_33 = vector.broadcast %jit3A_32 : f32 to vector<8x4096xf32>
      %select_n3A_34 = arith.select %eq3A_28, %get3A_4, %broadcast_in_dim3A_33 : vector<8x4096xi1>, vector<8x4096xf32>
      %reduce_sum3A_35 = arith.constant dense<0.000000e+00> : vector<8xf32>
      %reduce_sum3A_36 = vector.multi_reduction <add>, %select_n3A_34, %reduce_sum3A_35 [1] : vector<8x4096xf32> to vector<8xf32>
      %broadcast_in_dim3A_37 = vector.shape_cast %reduce_sum3A_36 : vector<8xf32> to vector<8x1xf32>
      %jit3A_38 = arith.constant 0.000000e+00 : f32
      %broadcast_in_dim3A_39 = vector.broadcast %jit3A_38 : f32 to vector<8x4096xf32>
      %select_n3A_40 = arith.select %eq3A_28, %get3A_7, %broadcast_in_dim3A_39 : vector<8x4096xi1>, vector<8x4096xf32>
      %reduce_sum3A_41 = arith.constant dense<0.000000e+00> : vector<8xf32>
      %reduce_sum3A_42 = vector.multi_reduction <add>, %select_n3A_40, %reduce_sum3A_41 [1] : vector<8x4096xf32> to vector<8xf32>
      %broadcast_in_dim3A_43 = vector.shape_cast %reduce_sum3A_42 : vector<8xf32> to vector<8x1xf32>
      %jit3A_44 = arith.constant 0.000000e+00 : f32
      %broadcast_in_dim3A_45 = vector.broadcast %jit3A_44 : f32 to vector<8x4096xf32>
      %select_n3A_46 = arith.select %eq3A_28, %get3A_10, %broadcast_in_dim3A_45 : vector<8x4096xi1>, vector<8x4096xf32>
      %reduce_sum3A_47 = arith.constant dense<0.000000e+00> : vector<8xf32>
      %reduce_sum3A_48 = vector.multi_reduction <add>, %select_n3A_46, %reduce_sum3A_47 [1] : vector<8x4096xf32> to vector<8xf32>
      %broadcast_in_dim3A_49 = vector.shape_cast %reduce_sum3A_48 : vector<8xf32> to vector<8x1xf32>
      %eq3A_50 = vector.broadcast %scan3A_24 : i32 to vector<8x512xi32>
      %eq3A_51 = arith.cmpi eq, %iota3A_11, %eq3A_50 : vector<8x512xi32>
      %broadcast_in_dim3A_52 = vector.shape_cast %broadcast_in_dim3A_49 : vector<8x1xf32> to vector<8x1xf32>
      %broadcast_in_dim3A_53 = vector.broadcast %broadcast_in_dim3A_52 : vector<8x1xf32> to vector<8x512xf32>
      %select_n3A_54 = arith.select %eq3A_51, %broadcast_in_dim3A_53, %scan3A_27 : vector<8x512xi1>, vector<8x512xf32>
      %sub3A = vector.broadcast %broadcast_in_dim3A_31 : vector<8x1xf32> to vector<8x4096xf32>
      %sub3A_55 = arith.subf %get3A_1, %sub3A : vector<8x4096xf32>
      %sub3A_56 = vector.broadcast %broadcast_in_dim3A_37 : vector<8x1xf32> to vector<8x4096xf32>
      %sub3A_57 = arith.subf %get3A_4, %sub3A_56 : vector<8x4096xf32>
      %sub3A_58 = vector.broadcast %broadcast_in_dim3A_43 : vector<8x1xf32> to vector<8x4096xf32>
      %sub3A_59 = arith.subf %get3A_7, %sub3A_58 : vector<8x4096xf32>
      %mul3A = arith.mulf %sub3A_55, %sub3A_55 : vector<8x4096xf32>
      %mul3A_60 = arith.mulf %sub3A_57, %sub3A_57 : vector<8x4096xf32>
      %add3A = arith.addf %mul3A, %mul3A_60 : vector<8x4096xf32>
      %mul3A_61 = arith.mulf %sub3A_59, %sub3A_59 : vector<8x4096xf32>
      %add3A_62 = arith.addf %add3A, %mul3A_61 : vector<8x4096xf32>
      %min3A = arith.minimumf %scan3A_25, %add3A_62 : vector<8x4096xf32>
      %reduce_max3A = arith.constant dense<0xFF800000> : vector<8xf32>
      %reduce_max3A_63 = vector.multi_reduction <maximumf>, %min3A, %reduce_max3A [1] : vector<8x4096xf32> to vector<8xf32>
      %broadcast_in_dim3A_64 = vector.shape_cast %reduce_max3A_63 : vector<8xf32> to vector<8x1xf32>
      %eq3A_65 = vector.broadcast %broadcast_in_dim3A_64 : vector<8x1xf32> to vector<8x4096xf32>
      %eq3A_66 = arith.cmpf oeq, %min3A, %eq3A_65 : vector<8x4096xf32>
      %jit3A_67 = arith.constant 4096 : i32
      %broadcast_in_dim3A_68 = vector.broadcast %jit3A_67 : i32 to vector<8x4096xi32>
      %select_n3A_69 = arith.select %eq3A_66, %iota3A, %broadcast_in_dim3A_68 : vector<8x4096xi1>, vector<8x4096xi32>
      %reduce_min3A = arith.constant dense<2147483647> : vector<8xi32>
      %reduce_min3A_70 = vector.multi_reduction <minsi>, %select_n3A_69, %reduce_min3A [1] : vector<8x4096xi32> to vector<8xi32>
      %broadcast_in_dim3A_71 = vector.shape_cast %reduce_min3A_70 : vector<8xi32> to vector<8x1xi32>
      scf.yield %min3A, %broadcast_in_dim3A_71, %select_n3A_54 : vector<8x4096xf32>, vector<8x1xi32>, vector<8x512xf32>
    }
    %scan3A_21 = arith.constant 512 : i32
    %convert_element_type3A = arith.fptosi %scan3A_20#2 : vector<8x512xf32> to vector<8x512xi32>
    %swap3A = arith.constant 0 : index
    %swap3A_22 = arith.constant 0 : index
    %swap3A_23 = vector.load %arg4[%swap3A, %swap3A_22] : memref<8x512xi32, #tpu.memory_space<vmem>>, vector<8x512xi32>
    tpu.vector_store %arg4[%swap3A, %swap3A_22], %convert_element_type3A {strides = array<i32>} : memref<8x512xi32, #tpu.memory_space<vmem>>, vector<8x512xi32>,
    return
  }
}

module attributes {stable_mosaic.version = 14 : i64} {
  func.func @_head_stats_body(%arg0: i32, %arg1: i32, %arg2: memref<1x128x512xf32, #tpu.memory_space<vmem>>, %arg3: memref<128x128xf32, #tpu.memory_space<vmem>>, %arg4: memref<128xf32, #tpu.memory_space<vmem>>, %arg5: memref<1x128x512xf32, #tpu.memory_space<vmem>>, %arg6: memref<1x128xf32, #tpu.memory_space<vmem>>, %arg7: memref<1x128xf32, #tpu.memory_space<vmem>>) attributes {dimension_semantics = [#tpu.dimension_semantics<arbitrary>, #tpu.dimension_semantics<arbitrary>], iteration_bounds = array<i64: 8, 8>, scalar_prefetch = 0 : i64, scratch_operands = 0 : i64, tpu.core_type = #tpu.core_type<tc>, window_params = [{transform_indices = @transform_0, window_bounds = array<i64: 1, 128, 512>}, {pipeline_mode = #tpu.pipeline_mode<synchronous>, transform_indices = @transform_1, window_bounds = array<i64: 128, 128>}, {pipeline_mode = #tpu.pipeline_mode<synchronous>, transform_indices = @transform_2, window_bounds = array<i64: 128>}, {transform_indices = @transform_3, window_bounds = array<i64: 1, 128, 512>}, {pipeline_mode = #tpu.pipeline_mode<synchronous>, transform_indices = @transform_4, window_bounds = array<i64: 1, 128>}, {pipeline_mode = #tpu.pipeline_mode<synchronous>, transform_indices = @transform_5, window_bounds = array<i64: 1, 128>}]} {
    %get3A = arith.constant 0 : index
    %get3A_0 = arith.constant 0 : index
    %get3A_1 = arith.constant 0 : index
    %get3A_2 = vector.load %arg2[%get3A, %get3A_0, %get3A_1] : memref<1x128x512xf32, #tpu.memory_space<vmem>>, vector<1x128x512xf32>
    %get3A_3 = vector.shape_cast %get3A_2 : vector<1x128x512xf32> to vector<128x512xf32>
    %get3A_4 = arith.constant 0 : index
    %get3A_5 = arith.constant 0 : index
    %get3A_6 = vector.load %arg3[%get3A_4, %get3A_5] : memref<128x128xf32, #tpu.memory_space<vmem>>, vector<128x128xf32>
    %dot_general3A = arith.constant dense<0.000000e+00> : vector<128x512xf32>
    %dot_general3A_7 = tpu.matmul %get3A_6, %get3A_3, %dot_general3A {dimension_numbers = #tpu.dot_dimension_numbers<[1], [0], [0], [1], [0, 0, 1, 1], [], []>, transpose_lhs_hint = false} : vector<128x128xf32>, vector<128x512xf32>, vector<128x512xf32> -> vector<128x512xf32>
    %get3A_8 = arith.constant 0 : index
    %get3A_9 = vector.load %arg4[%get3A_8] : memref<128xf32, #tpu.memory_space<vmem>>, vector<128xf32>
    %reshape3A = vector.shape_cast %get3A_9 : vector<128xf32> to vector<128x1xf32>
    %add3A = vector.broadcast %reshape3A : vector<128x1xf32> to vector<128x512xf32>
    %add3A_10 = arith.addf %dot_general3A_7, %add3A : vector<128x512xf32>
    %swap3A = arith.constant 0 : index
    %swap3A_11 = arith.constant 0 : index
    %swap3A_12 = arith.constant 0 : index
    %swap3A_13 = vector.load %arg5[%swap3A, %swap3A_11, %swap3A_12] : memref<1x128x512xf32, #tpu.memory_space<vmem>>, vector<1x128x512xf32>
    %swap3A_14 = vector.shape_cast %swap3A_13 : vector<1x128x512xf32> to vector<128x512xf32>
    %swap3A_15 = vector.shape_cast %add3A_10 : vector<128x512xf32> to vector<1x128x512xf32>
    tpu.vector_store %arg5[%swap3A, %swap3A_11, %swap3A_12], %swap3A_15 {strides = array<i32>} : memref<1x128x512xf32, #tpu.memory_space<vmem>>, vector<1x128x512xf32>,
    %reduce_sum3A = arith.constant dense<0.000000e+00> : vector<128xf32>
    %reduce_sum3A_16 = vector.multi_reduction <add>, %add3A_10, %reduce_sum3A [1] : vector<128x512xf32> to vector<128xf32>
    %reshape3A_17 = vector.shape_cast %reduce_sum3A_16 : vector<128xf32> to vector<1x128xf32>
    %mul3A = arith.mulf %add3A_10, %add3A_10 : vector<128x512xf32>
    %reduce_sum3A_18 = arith.constant dense<0.000000e+00> : vector<128xf32>
    %reduce_sum3A_19 = vector.multi_reduction <add>, %mul3A, %reduce_sum3A_18 [1] : vector<128x512xf32> to vector<128xf32>
    %reshape3A_20 = vector.shape_cast %reduce_sum3A_19 : vector<128xf32> to vector<1x128xf32>
    %eq3A = arith.constant 0 : i32
    %eq3A_21 = arith.cmpi eq, %arg0, %eq3A : i32
    %eq3A_22 = arith.constant 0 : i32
    %eq3A_23 = arith.cmpi eq, %arg1, %eq3A_22 : i32
    %and3A = arith.andi %eq3A_21, %eq3A_23 : i1
    %convert_element_type3A = arith.extui %and3A : i1 to i32
    %cond3A = arith.constant 0 : i32
    %cond3A_24 = arith.cmpi ne, %convert_element_type3A, %cond3A : i32
    scf.if %cond3A_24 {
      %broadcast_in_dim3A = arith.constant 0.000000e+00 : f32
      %broadcast_in_dim3A_39 = vector.broadcast %broadcast_in_dim3A : f32 to vector<1x128xf32>
      %swap3A_40 = arith.constant 0 : index
      %swap3A_41 = arith.constant 0 : index
      %swap3A_42 = vector.load %arg6[%swap3A_40, %swap3A_41] : memref<1x128xf32, #tpu.memory_space<vmem>>, vector<1x128xf32>
      tpu.vector_store %arg6[%swap3A_40, %swap3A_41], %broadcast_in_dim3A_39 {strides = array<i32>} : memref<1x128xf32, #tpu.memory_space<vmem>>, vector<1x128xf32>,
      %broadcast_in_dim3A_43 = arith.constant 0.000000e+00 : f32
      %broadcast_in_dim3A_44 = vector.broadcast %broadcast_in_dim3A_43 : f32 to vector<1x128xf32>
      %swap3A_45 = arith.constant 0 : index
      %swap3A_46 = arith.constant 0 : index
      %swap3A_47 = vector.load %arg7[%swap3A_45, %swap3A_46] : memref<1x128xf32, #tpu.memory_space<vmem>>, vector<1x128xf32>
      tpu.vector_store %arg7[%swap3A_45, %swap3A_46], %broadcast_in_dim3A_44 {strides = array<i32>} : memref<1x128xf32, #tpu.memory_space<vmem>>, vector<1x128xf32>,
    } else {
    }
    %get3A_25 = arith.constant 0 : index
    %get3A_26 = arith.constant 0 : index
    %get3A_27 = vector.load %arg6[%get3A_25, %get3A_26] : memref<1x128xf32, #tpu.memory_space<vmem>>, vector<1x128xf32>
    %add3A_28 = arith.addf %get3A_27, %reshape3A_17 : vector<1x128xf32>
    %swap3A_29 = arith.constant 0 : index
    %swap3A_30 = arith.constant 0 : index
    %swap3A_31 = vector.load %arg6[%swap3A_29, %swap3A_30] : memref<1x128xf32, #tpu.memory_space<vmem>>, vector<1x128xf32>
    tpu.vector_store %arg6[%swap3A_29, %swap3A_30], %add3A_28 {strides = array<i32>} : memref<1x128xf32, #tpu.memory_space<vmem>>, vector<1x128xf32>,
    %get3A_32 = arith.constant 0 : index
    %get3A_33 = arith.constant 0 : index
    %get3A_34 = vector.load %arg7[%get3A_32, %get3A_33] : memref<1x128xf32, #tpu.memory_space<vmem>>, vector<1x128xf32>
    %add3A_35 = arith.addf %get3A_34, %reshape3A_20 : vector<1x128xf32>
    %swap3A_36 = arith.constant 0 : index
    %swap3A_37 = arith.constant 0 : index
    %swap3A_38 = vector.load %arg7[%swap3A_36, %swap3A_37] : memref<1x128xf32, #tpu.memory_space<vmem>>, vector<1x128xf32>
    tpu.vector_store %arg7[%swap3A_36, %swap3A_37], %add3A_35 {strides = array<i32>} : memref<1x128xf32, #tpu.memory_space<vmem>>, vector<1x128xf32>,
    return
  }
  func.func @transform_0(%arg0: i32, %arg1: i32) -> (i32, i32, i32) {
    %c0_i32 = arith.constant 0 : i32
    %c0_i32_0 = arith.constant 0 : i32
    return %arg0, %c0_i32, %arg1 : i32, i32, i32
  }
  func.func @transform_1(%arg0: i32, %arg1: i32) -> (i32, i32) {
    %c0_i32 = arith.constant 0 : i32
    %c0_i32_0 = arith.constant 0 : i32
    %c0_i32_1 = arith.constant 0 : i32
    return %c0_i32, %c0_i32_0 : i32, i32
  }
  func.func @transform_2(%arg0: i32, %arg1: i32) -> i32 {
    %c0_i32 = arith.constant 0 : i32
    %c0_i32_0 = arith.constant 0 : i32
    return %c0_i32 : i32
  }
  func.func @transform_3(%arg0: i32, %arg1: i32) -> (i32, i32, i32) {
    %c0_i32 = arith.constant 0 : i32
    %c0_i32_0 = arith.constant 0 : i32
    return %arg0, %c0_i32, %arg1 : i32, i32, i32
  }
  func.func @transform_4(%arg0: i32, %arg1: i32) -> (i32, i32) {
    %c0_i32 = arith.constant 0 : i32
    %c0_i32_0 = arith.constant 0 : i32
    %c0_i32_1 = arith.constant 0 : i32
    return %c0_i32, %c0_i32_0 : i32, i32
  }
  func.func @transform_5(%arg0: i32, %arg1: i32) -> (i32, i32) {
    %c0_i32 = arith.constant 0 : i32
    %c0_i32_0 = arith.constant 0 : i32
    %c0_i32_1 = arith.constant 0 : i32
    return %c0_i32, %c0_i32_0 : i32, i32
  }
}

module attributes {stable_mosaic.version = 14 : i64} {
  func.func @_head_norm_body(%arg0: i32, %arg1: i32, %arg2: memref<1x128x512xf32, #tpu.memory_space<vmem>>, %arg3: memref<1x128xf32, #tpu.memory_space<vmem>>, %arg4: memref<1x128xf32, #tpu.memory_space<vmem>>, %arg5: memref<128xf32, #tpu.memory_space<vmem>>, %arg6: memref<128xf32, #tpu.memory_space<vmem>>, %arg7: memref<13x128xf32, #tpu.memory_space<vmem>>, %arg8: memref<13xf32, #tpu.memory_space<vmem>>, %arg9: memref<1x512x13xf32, #tpu.memory_space<vmem>>) attributes {dimension_semantics = [#tpu.dimension_semantics<arbitrary>, #tpu.dimension_semantics<arbitrary>], iteration_bounds = array<i64: 8, 8>, scalar_prefetch = 0 : i64, scratch_operands = 0 : i64, tpu.core_type = #tpu.core_type<tc>, window_params = [{transform_indices = @transform_0, window_bounds = array<i64: 1, 128, 512>}, {pipeline_mode = #tpu.pipeline_mode<synchronous>, transform_indices = @transform_1, window_bounds = array<i64: 1, 128>}, {pipeline_mode = #tpu.pipeline_mode<synchronous>, transform_indices = @transform_2, window_bounds = array<i64: 1, 128>}, {pipeline_mode = #tpu.pipeline_mode<synchronous>, transform_indices = @transform_3, window_bounds = array<i64: 128>}, {pipeline_mode = #tpu.pipeline_mode<synchronous>, transform_indices = @transform_4, window_bounds = array<i64: 128>}, {pipeline_mode = #tpu.pipeline_mode<synchronous>, transform_indices = @transform_5, window_bounds = array<i64: 13, 128>}, {pipeline_mode = #tpu.pipeline_mode<synchronous>, transform_indices = @transform_6, window_bounds = array<i64: 13>}, {transform_indices = @transform_7, window_bounds = array<i64: 1, 512, 13>}]} {
    %get3A = arith.constant 0 : index
    %get3A_0 = arith.constant 0 : index
    %get3A_1 = vector.load %arg3[%get3A, %get3A_0] : memref<1x128xf32, #tpu.memory_space<vmem>>, vector<1x128xf32>
    %div3A = arith.constant 3.276800e+04 : f32
    %div3A_2 = vector.broadcast %div3A : f32 to vector<1x128xf32>
    %div3A_3 = arith.divf %get3A_1, %div3A_2 : vector<1x128xf32>
    %get3A_4 = arith.constant 0 : index
    %get3A_5 = arith.constant 0 : index
    %get3A_6 = vector.load %arg4[%get3A_4, %get3A_5] : memref<1x128xf32, #tpu.memory_space<vmem>>, vector<1x128xf32>
    %div3A_7 = arith.constant 3.276800e+04 : f32
    %div3A_8 = vector.broadcast %div3A_7 : f32 to vector<1x128xf32>
    %div3A_9 = arith.divf %get3A_6, %div3A_8 : vector<1x128xf32>
    %mul3A = arith.mulf %div3A_3, %div3A_3 : vector<1x128xf32>
    %sub3A = arith.subf %div3A_9, %mul3A : vector<1x128xf32>
    %get3A_10 = arith.constant 0 : index
    %get3A_11 = vector.load %arg5[%get3A_10] : memref<128xf32, #tpu.memory_space<vmem>>, vector<128xf32>
    %reshape3A = vector.shape_cast %get3A_11 : vector<128xf32> to vector<1x128xf32>
    %add3A = arith.constant 9.99999974E-6 : f32
    %add3A_12 = vector.broadcast %add3A : f32 to vector<1x128xf32>
    %add3A_13 = arith.addf %sub3A, %add3A_12 : vector<1x128xf32>
    %sqrt3A = math.sqrt %add3A_13 : vector<1x128xf32>
    %div3A_14 = arith.divf %reshape3A, %sqrt3A : vector<1x128xf32>
    %get3A_15 = arith.constant 0 : index
    %get3A_16 = vector.load %arg6[%get3A_15] : memref<128xf32, #tpu.memory_space<vmem>>, vector<128xf32>
    %reshape3A_17 = vector.shape_cast %get3A_16 : vector<128xf32> to vector<1x128xf32>
    %mul3A_18 = arith.mulf %div3A_3, %div3A_14 : vector<1x128xf32>
    %sub3A_19 = arith.subf %reshape3A_17, %mul3A_18 : vector<1x128xf32>
    %get3A_20 = arith.constant 0 : index
    %get3A_21 = arith.constant 0 : index
    %get3A_22 = arith.constant 0 : index
    %get3A_23 = vector.load %arg2[%get3A_20, %get3A_21, %get3A_22] : memref<1x128x512xf32, #tpu.memory_space<vmem>>, vector<1x128x512xf32>
    %get3A_24 = vector.shape_cast %get3A_23 : vector<1x128x512xf32> to vector<128x512xf32>
    %reshape3A_25 = vector.shape_cast %div3A_14 : vector<1x128xf32> to vector<128x1xf32>
    %mul3A_26 = vector.broadcast %reshape3A_25 : vector<128x1xf32> to vector<128x512xf32>
    %mul3A_27 = arith.mulf %get3A_24, %mul3A_26 : vector<128x512xf32>
    %reshape3A_28 = vector.shape_cast %sub3A_19 : vector<1x128xf32> to vector<128x1xf32>
    %add3A_29 = vector.broadcast %reshape3A_28 : vector<128x1xf32> to vector<128x512xf32>
    %add3A_30 = arith.addf %mul3A_27, %add3A_29 : vector<128x512xf32>
    %max3A = arith.constant 0.000000e+00 : f32
    %max3A_31 = vector.broadcast %max3A : f32 to vector<128x512xf32>
    %max3A_32 = arith.maximumf %add3A_30, %max3A_31 : vector<128x512xf32>
    %get3A_33 = arith.constant 0 : index
    %get3A_34 = arith.constant 0 : index
    %get3A_35 = vector.load %arg7[%get3A_33, %get3A_34] : memref<13x128xf32, #tpu.memory_space<vmem>>, vector<13x128xf32>
    %dot_general3A = arith.constant dense<0.000000e+00> : vector<13x512xf32>
    %dot_general3A_36 = tpu.matmul %get3A_35, %max3A_32, %dot_general3A {dimension_numbers = #tpu.dot_dimension_numbers<[1], [0], [0], [1], [0, 0, 1, 1], [], []>, transpose_lhs_hint = false} : vector<13x128xf32>, vector<128x512xf32>, vector<13x512xf32> -> vector<13x512xf32>
    %get3A_37 = arith.constant 0 : index
    %get3A_38 = vector.load %arg8[%get3A_37] : memref<13xf32, #tpu.memory_space<vmem>>, vector<13xf32>
    %reshape3A_39 = vector.shape_cast %get3A_38 : vector<13xf32> to vector<13x1xf32>
    %add3A_40 = vector.broadcast %reshape3A_39 : vector<13x1xf32> to vector<13x512xf32>
    %add3A_41 = arith.addf %dot_general3A_36, %add3A_40 : vector<13x512xf32>
    %reduce_max3A = arith.constant dense<0xFF800000> : vector<512xf32>
    %reduce_max3A_42 = vector.multi_reduction <maximumf>, %add3A_41, %reduce_max3A [0] : vector<13x512xf32> to vector<512xf32>
    %broadcast_in_dim3A = vector.shape_cast %reduce_max3A_42 : vector<512xf32> to vector<1x512xf32>
    %sub3A_43 = vector.broadcast %broadcast_in_dim3A : vector<1x512xf32> to vector<13x512xf32>
    %sub3A_44 = arith.subf %add3A_41, %sub3A_43 : vector<13x512xf32>
    %exp3A = math.exp %sub3A_44 : vector<13x512xf32>
    %reduce_sum3A = arith.constant dense<0.000000e+00> : vector<512xf32>
    %reduce_sum3A_45 = vector.multi_reduction <add>, %exp3A, %reduce_sum3A [0] : vector<13x512xf32> to vector<512xf32>
    %broadcast_in_dim3A_46 = vector.shape_cast %reduce_sum3A_45 : vector<512xf32> to vector<1x512xf32>
    %log3A = math.log %broadcast_in_dim3A_46 : vector<1x512xf32>
    %sub3A_47 = vector.broadcast %log3A : vector<1x512xf32> to vector<13x512xf32>
    %sub3A_48 = arith.subf %sub3A_44, %sub3A_47 : vector<13x512xf32>
    %transpose3A = tpu.transpose %sub3A_48, [1, 0] : vector<13x512xf32> -> vector<512x13xf32>
    %swap3A = arith.constant 0 : index
    %swap3A_49 = arith.constant 0 : index
    %swap3A_50 = arith.constant 0 : index
    %swap3A_51 = vector.load %arg9[%swap3A, %swap3A_49, %swap3A_50] : memref<1x512x13xf32, #tpu.memory_space<vmem>>, vector<1x512x13xf32>
    %swap3A_52 = vector.shape_cast %swap3A_51 : vector<1x512x13xf32> to vector<512x13xf32>
    %swap3A_53 = vector.shape_cast %transpose3A : vector<512x13xf32> to vector<1x512x13xf32>
    tpu.vector_store %arg9[%swap3A, %swap3A_49, %swap3A_50], %swap3A_53 {strides = array<i32>} : memref<1x512x13xf32, #tpu.memory_space<vmem>>, vector<1x512x13xf32>,
    return
  }
  func.func @transform_0(%arg0: i32, %arg1: i32) -> (i32, i32, i32) {
    %c0_i32 = arith.constant 0 : i32
    %c0_i32_0 = arith.constant 0 : i32
    return %arg0, %c0_i32, %arg1 : i32, i32, i32
  }
  func.func @transform_1(%arg0: i32, %arg1: i32) -> (i32, i32) {
    %c0_i32 = arith.constant 0 : i32
    %c0_i32_0 = arith.constant 0 : i32
    %c0_i32_1 = arith.constant 0 : i32
    return %c0_i32, %c0_i32_0 : i32, i32
  }
  func.func @transform_2(%arg0: i32, %arg1: i32) -> (i32, i32) {
    %c0_i32 = arith.constant 0 : i32
    %c0_i32_0 = arith.constant 0 : i32
    %c0_i32_1 = arith.constant 0 : i32
    return %c0_i32, %c0_i32_0 : i32, i32
  }
  func.func @transform_3(%arg0: i32, %arg1: i32) -> i32 {
    %c0_i32 = arith.constant 0 : i32
    %c0_i32_0 = arith.constant 0 : i32
    return %c0_i32 : i32
  }
  func.func @transform_4(%arg0: i32, %arg1: i32) -> i32 {
    %c0_i32 = arith.constant 0 : i32
    %c0_i32_0 = arith.constant 0 : i32
    return %c0_i32 : i32
  }
  func.func @transform_5(%arg0: i32, %arg1: i32) -> (i32, i32) {
    %c0_i32 = arith.constant 0 : i32
    %c0_i32_0 = arith.constant 0 : i32
    %c0_i32_1 = arith.constant 0 : i32
    return %c0_i32, %c0_i32_0 : i32, i32
  }
  func.func @transform_6(%arg0: i32, %arg1: i32) -> i32 {
    %c0_i32 = arith.constant 0 : i32
    %c0_i32_0 = arith.constant 0 : i32
    return %c0_i32 : i32
  }
  func.func @transform_7(%arg0: i32, %arg1: i32) -> (i32, i32, i32) {
    %c0_i32 = arith.constant 0 : i32
    %c0_i32_0 = arith.constant 0 : i32
    return %arg0, %arg1, %c0_i32 : i32, i32, i32
  }
}

</mosaic_0001>

<sc_bundles>
// kernel: gather_offload_async_start.1
scs
__scs_entry_jumppad:
0x0: {  	(pc) =	sbr.rel $0x88, $3  }
0x1: {  	(tag) =	ssettag $0x0;
	lr =	simm.s32 $0x1  }
0x2: {  	[smem:$0x3F5A] =	sst lr;
	_ =	strace $0xD0000000  }
0x3: {  	_ = 	snop  }
0x4: {  	_ = 	snop  }
0x5: {  	_ = 	snop  }
0x6: {  	_ = 	snop  }
0x7: {  	_ = 	snop  }
__scs_overlays_trampoline_lowered:
0x8: {  	[smem:$0x3F69] =	sst s0  }
0x9: {  	[smem:$0x3F6A] =	sst s1  }
0xa: {  	[smem:$0x3F6B] =	sst s2  }
0xb: {  	[smem:$0x3F6C] =	sst s3  }
0xc: {  	[smem:$0x3F6D] =	sst s4  }
0xd: {  	[smem:$0x3F6E] =	sst s5  }
0xe: {  	[smem:$0x3F6F] =	sst s6  }
0xf: {  	[smem:$0x3F70] =	sst s7  }
0x10: {  	[smem:$0x3F71] =	sst s8  }
0x11: {  	[smem:$0x3F72] =	sst s9;
	s0 =	simm.s32 @!p0 $0x0  }
0x12: {  	s1 =	sld [smem:$0x3F58];
	s0 =	simm.s32 @p0 $0x1  }
0x13: {  	[smem:$0x3F73] =	sst s0;
	s0 =	simm.s32 @!p1 $0x0  }
0x14: {  	s2 =	sld [smem:$0x3F57];
	s0 =	simm.s32 @p1 $0x1  }
0x15: {  	[smem:$0x3F74] =	sst s0;
	s0 =	simm.s32 @!p2 $0x0  }
0x16: {  	s3 =	sld [smem:$0x3FDB];
	s0 =	simm.s32 @p2 $0x1  }
0x17: {  	s4 =	simm.s32 $0x1BF5;
	[smem:$0x3F76] =	sst s0  }
0x18: {  	s0 =	sld [smem:$0x3F59];
	_ =	swait.ge [sflag:s4], $0x0  }
0x19: {  	s7 =	sld [smem:$0x3F5A]  }
0x1a: {  	s8 =	sadd.s32 $0xFFFFE003, lr  }
0x1b: {  	s9 =	sadd.s32 $0xFFFFFEF7, lr;
	s5 =	simm.s32 $0xFFFFFFFF;
	p2 =	slt.u32 s8, $0xFFFFF086  }
0x1c: {  	p1 =	slt.u32 s9, $0xF7A;
	s5 =	simm.s32 @!p2 $0x0  }
0x1d: {  	s5 =	simm.s32 @p1 $0x1;
	p0 =	seq.s32 s7, s2  }
0x1e: {  	s7 =	smul.u32 @!p0 $0xF7A, s2;
	p2 =	seq.s32 @!p0 s5, $0x0  }
0x1f: {  	s9 =	smul.u32 $0xF7A, s1;
	s8 =	simm.s32 @!p0 $0x1BF5;
	p2 =	por !p2, p0  }
0x20: {  	[sflag:s8] =	ssyncset.s32 @!p0 $0xFFFFF086;
	s6 =	sadd.s32 @!p0 s3, s7;
	s7 =	simm.s32 @!p0 $0x108  }
0x21: {  	s3 =	sadd.s32 s3, s9;
	s6 =	sadd.s32 @!p0 $0x88, s6;
	s7 =	simm.s32 @p2 $0x1082  }
0x22: {  	[simem:s7], [sflag:s8] =	dma.local @!p0 [hbm:s6], $0xF7A  }
0x23: {  	s9 =	sor.u32 $0xD0000000, s2;
	s6 =	simm.s32 $0x108;
	_ =	swait.ge @!p0 [sflag:s8], $0x0  }
0x24: {  	s3 =	sadd.s32 $0x88, s3;
	s6 =	simm.s32 @!p1 $0x1082;
	[sflag:s4] =	ssyncset.s32 $0xFFFFF086  }
0x25: {  	[simem:s6], [sflag:s4] =	dma.local [hbm:s3], $0xF7A  }
0x26: {  	[smem:$0x3F5A] =	sst s1;
	(tag) =	ssettag s2;
	_ =	strace s9  }
0x27: {  	s1 =	sld [smem:$0x3F6A]  }
0x28: {  	s2 =	sld [smem:$0x3F6B]  }
0x29: {  	s4 =	sld [smem:$0x3F6D]  }
0x2a: {  	p0 =	seq.s32 s5, $0x0;
	s5 =	sld [smem:$0x3F6E]  }
0x2b: {  	s6 =	sld [smem:$0x3F6F]  }
0x2c: {  	s7 =	sld [smem:$0x3F70]  }
0x2d: {  	s3 =	simm.s32 $0x108;
	s8 =	sld [smem:$0x3F71]  }
0x2e: {  	s3 =	simm.s32 @!p0 $0x1082;
	s9 =	sld [smem:$0x3F72]  }
0x2f: {  	lr =	sadd.s32 s0, s3;
	s0 =	sld [smem:$0x3F69]  }
0x30: {  	s3 =	sld [smem:$0x3F6C]  }
0x31: {  	[smem:$0x3F75] =	sst s10  }
0x32: {  	s10 =	sld [smem:$0x3F73];
	_ =	sdelay $0x3  }
0x33: {  	p0 =	seq.s32 s10, $0x1;
	s10 =	sld [smem:$0x3F75];
	_ =	sdelay $0x3  }
0x34: {  	[smem:$0x3F75] =	sst s10  }
0x35: {  	s10 =	sld [smem:$0x3F74];
	_ =	sdelay $0x3  }
0x36: {  	p1 =	seq.s32 s10, $0x1;
	s10 =	sld [smem:$0x3F75];
	_ =	sdelay $0x3  }
0x37: {  	[smem:$0x3F75] =	sst s10  }
0x38: {  	s10 =	sld [smem:$0x3F76]  }
0x39: {  	_ = 	snop;
	(pc) =	sbr.ind lr, $3  }
0x3a: {  	_ = 	snop  }
0x3b: {  	_ = 	snop  }
0x3c: {  	p2 =	seq.s32 s10, $0x1;
	s10 =	sld [smem:$0x3F75]  }
0x3d: {  	_ =	shalt  }
0x3e: {  	_ =	shalt  }
0x3f: {  	_ =	shalt  }
0x40: {  	_ =	shalt  }
0x41: {  	_ =	shalt  }
0x42: {  	_ =	shalt  }
0x43: {  	_ =	shalt  }
0x44: {  	_ =	shalt  }
0x45: {  	_ =	shalt  }
0x46: {  	_ =	shalt  }
0x47: {  	_ =	shalt  }
0x48: {  	_ =	shalt  }
0x49: {  	_ =	shalt  }
0x4a: {  	_ =	shalt  }
0x4b: {  	_ =	shalt  }
0x4c: {  	_ =	shalt  }
0x4d: {  	_ =	shalt  }
0x4e: {  	_ =	shalt  }
0x4f: {  	_ =	shalt  }
0x50: {  	_ =	shalt  }
0x51: {  	_ =	shalt  }
0x52: {  	_ =	shalt  }
0x53: {  	_ =	shalt  }
0x54: {  	_ =	shalt  }
0x55: {  	_ =	shalt  }
0x56: {  	_ =	shalt  }
0x57: {  	_ =	shalt  }
0x58: {  	_ =	shalt  }
0x59: {  	_ =	shalt  }
0x5a: {  	_ =	shalt  }
0x5b: {  	_ =	shalt  }
0x5c: {  	_ =	shalt  }
0x5d: {  	_ =	shalt  }
0x5e: {  	_ =	shalt  }
0x5f: {  	_ =	shalt  }
0x60: {  	_ =	shalt  }
0x61: {  	_ =	shalt  }
0x62: {  	_ =	shalt  }
0x63: {  	_ =	shalt  }
0x64: {  	_ =	shalt  }
0x65: {  	_ =	shalt  }
0x66: {  	_ =	shalt  }
0x67: {  	_ =	shalt  }
0x68: {  	_ =	shalt  }
0x69: {  	_ =	shalt  }
0x6a: {  	_ =	shalt  }
0x6b: {  	_ =	shalt  }
0x6c: {  	_ =	shalt  }
0x6d: {  	_ =	shalt  }
0x6e: {  	_ =	shalt  }
0x6f: {  	_ =	shalt  }
0x70: {  	_ =	shalt  }
0x71: {  	_ =	shalt  }
0x72: {  	_ =	shalt  }
0x73: {  	_ =	shalt  }
0x74: {  	_ =	shalt  }
0x75: {  	_ =	shalt  }
0x76: {  	_ =	shalt  }
0x77: {  	_ =	shalt  }
0x78: {  	_ =	shalt  }
0x79: {  	_ =	shalt  }
0x7a: {  	_ =	shalt  }
0x7b: {  	_ =	shalt  }
0x7c: {  	_ =	shalt  }
0x7d: {  	_ =	shalt  }
0x7e: {  	_ =	shalt  }
0x7f: {  	_ =	shalt  }
0x80: {  	_ =	shalt  }
0x81: {  	_ =	shalt  }
0x82: {  	_ =	shalt  }
0x83: {  	_ =	shalt  }
0x84: {  	_ =	shalt  }
0x85: {  	_ =	shalt  }
0x86: {  	_ =	shalt  }
0x87: {  	_ =	shalt  }
.Lfunc_end0:
.L_simem_size_0:
called_computation.1_lowered:
.L_overlay_start_0:
0x88: {  	s2 =	sld [smem:$0x3FD9]  }
0x89: {  	s3 =	sld [smem:$0x3FFE];
	_ =	sdelay $0x1  }
0x8a: {  	s1 =	srdreg.scid  }
0x8b: {  	s0 =	sand.u32 $0x1, s1  }
0x8c: {  	s16 =	sshll.u32 s0, $0xA;
	s2 =	sadd.s32 s3, s2  }
0x8d: {  	s2 =	sadd.s32 s2, s16  }
0x8e: {  	[smem:$0x3F81] =	sst s2  }
0x8f: {  	_ = 	snop  }
0x90: {  	(tm) =	ssettm $0x1  }
0x91: {  	s17 =	sld [smem:$0x3FFB];
	_ =	sdelay $0x3  }
0x92: {  	_ =	strace s17  }
0x93: {  	s2 =	sld [smem:$0x3FFC];
	_ =	sdelay $0x3  }
0x94: {  	_ =	strace s2  }
0x95: {  	s2 =	sld [smem:$0x3FFD];
	_ =	sdelay $0x3  }
0x96: {  	_ =	strace s2  }
0x97: {  	_ =	strace $0x8FFFFFFF  }
0x98: {  	s18 =	sld [smem:$0x3FDB];
	_ =	sdelay $0x1  }
0x99: {  	s19 =	simm.s32 $_scs_section_size  }
0x9a: {  	s4 =	simm.s32 $_size__tile_overlayer_lowered;
	s5 =	simm.s32 $_tile_overlayer_lowered  }
0x9b: {  	s22 =	simm.s32 $0x1BFF;
	s21 =	sshll.u32 s5, $0x1;
	s2 =	sadd.s32 s19, s18  }
0x9c: {  	s6 =	simm.s32 $0x0;
	s20 =	sshll.u32 s4, $0x1;
	s4 =	sadd.s32 s21, s2  }
0x9d: {  	[timem:s6], [sflag:s22] =	dma.local [hbm:s4], s20  }
0x9e: {  	_ =	swait.ge [sflag:s22], s20  }
0x9f: {  	s3 =	ssub.s32 $0x0, s20;
	[sflag:s22] =	ssyncset.done $0x0  }
0xa0: {  	[sflag:s22] =	ssyncadd.s32 s3;
	_ =	sdelay $0x1  }
0xa1: {  	s23 =	simm.s32 $0x1B8B  }
0xa2: {  	_ =	swait.ge [sflag:s23], $0x1  }
0xa3: {  	[sflag:s23] =	ssyncset.done $0x0  }
0xa4: {  	s25 =	simm.s32 $0x1B8E;
	s24 =	sld [smem:$0x3FFE];
	[sflag:s23] =	ssyncadd.s32 $0xFFFFFFFF  }
0xa5: {  	s26 =	simm.s32 $execute0_lowered;
	[smem:$0x3FD2] =	sst s25  }
0xa6: {  	s4 =	sshll.u32 s26, $0x1;
	_ =	strace $0x80000049;
	[dreg:$0x1] =	wrdreg $0xFFFFFFFF  }
0xa7: {  	s28 =	simm.s32 $_size_execute0_lowered;
	s2 =	sadd.s32 s2, s4;
	[dreg:$0x0] =	wrdreg $0x0  }
0xa8: {  	s4 =	sshll.u32 s28, $0x1;
	[dreg:$0x2] =	wrdreg s2  }
0xa9: {  	[dreg:$0x3] =	wrdreg s4  }
0xaa: {  	[dreg:$0x4] =	wrdreg $0xC0  }
0xab: {  	_ =	task [dreg:s6], $0x5FFFF  }
0xac: {  	[dreg:$0x1] =	wrdreg $0xFFFFFFFF  }
0xad: {  	[dreg:$0x0] =	wrdreg $0x60  }
0xae: {  	[dreg:$0x2] =	wrdreg s24  }
0xaf: {  	[dreg:$0x3] =	wrdreg $0x9  }
0xb0: {  	_ =	task.clear_ibuf [dreg:s6], $0x4FFFF;
	_ =	strace $0x90000049  }
0xb1: {  	s29 =	simm.s32 $0x9;
	_ =	strace $0x8000004B  }
0xb2: {  	_ =	swait.ge [sflag:s29], $0x1  }
0xb3: {  	[sflag:s29] =	ssyncadd.s32 $0xFFFFFFFF  }
0xb4: {  	_ =	strace $0x9000004B  }
0xb5: {  	_ =	sfence  }
0xb6: {  	s30 =	sld [smem:$0x0];
	_ =	sdelay $0x2  }
0xb7: {  	s31 =	sshll.u32 s1, $0xD;
	s1 =	sshrl.u32 s1, $0x2  }
0xb8: {  	s3 =	sand.u32 $0x4000, s31;
	s1 =	sadd.s32 s1, s30  }
0xb9: {  	s0 =	sor.u32 s3, s0;
	s1 =	sshll.u32 s1, $0x11  }
0xba: {  	s0 =	sor.u32 s1, s0  }
0xbb: {  	s0 =	sadd.s32 $0x8F2B, s0  }
0xbc: {  	[sflag:s0] =	ssyncadd.remote.s32 $0x1  }
0xbd: {  	_ =	sfence.sel $0xFFFF  }
0xbe: {  	[dreg:$0x0] =	wrdreg $0xFFFFFFFF;
	(pc) =	sbr.abs _section_cstart, $3  }
0xbf: {  	[dreg:$0x1] =	wrdreg $0xFFFFFFFF  }
0xc0: {  	_ =	task.clear_ibuf [dreg:s6], $0x2FFFF;
	_ =	strace $0x9FFFFFFF  }
0xc1: {  	(tm) =	ssettm $0x7FFFFFFF  }
tec
execute0_lowered:
.L_overlay_start_1:
0x0: {  	(tag) =	ssettag $0x1  }
0x1: {  	s0 =	srdreg.scid;
	s5 =	rddreg [dreg:$0x0]  }
0x2: {  	s1 =	stileid.u32;
	s6 =	simm.s32 $0x1;
	s9 =	simm.s32 $0x1  }
0x3: {  	s10 =	simm.s32 $0x3;
	s13 =	simm.s32 $0x0;
	s2 =	sshll.u32 s0, $0x8  }
0x4: {  	s12 =	simm.s32 $0x0;
	s3 =	sshll.u32 s1, $0x9;
	s2 =	sand.u32 $0x100, s2  }
0x5: {  	s0 =	rddreg [dreg:$0x1];
	_ =	strace $0x8000004A;
	s2 =	sor.u32 s3, s2  }
0x6: {  	s4 =	sadd.s32 $0xA3400, s5;
	[sflag:s6] =	ssyncpa.u1 $0x0;
	s8 =	ssub.s32 $0x3000, s2  }
.Ltmp0:
0x7: {  	s3 =	sadd.s32 $0xA7600, s5;
	s7 =	sand.u32 $0x1F00, s8;
	(pc) =	sbr.rel .LBB2_1-.Ltmp0, $4  }
0x8: {  	s5 =	sadd.s32 $0xA6A00, s5;
	s11 =	smov.u32 s2;
	p0 =	sne.s32 s7, $0x0  }
0x9: {  	s8 =	sshrl.u32 s8, $0xD;
	s7 =	simm.s32 $0x2;
	s9 =	simm.s32 @!p0 $0x0  }
0xa: {  	[sflag:s7] =	ssyncpa.u1 $0x0;
	p0 =	por $0x0, $0x0;
	s8 =	sadd.s32 s9, s8  }
0xb: {  	vm0 =	vmmov $0xffff;
	[sflag:s10] =	ssyncpa.u1 $0x0;
	s10 =	simm.s32 $0x0;
	s9 =	sadd.s32 $0x1, s8  }
.LBB2_4:
0xc: {  	v3 =	vshrl.u32 v0, $0xC;
	v62 =	vshll.u32 v0, $0x10;
	v2 =	vand.u32 $0xFF80, v2  }
0xd: {  	v3 =	vand.u32 $0x7F, v3;
	v0 =	vand.u32 $0x70000, v62;
	v2 =	vsel vm1, $0xFFFFFF80, v2  }
0xe: {  	v3 =	vsel vm1, $0xFFFFFFFF, v3;
	v0 =	vsel vm1, $0xFFFF0000, v0;
	v4 =	vand.u32 $0xFFFFFC00, v2  }
0xf: {  	v0 =	vadd.s32 v0, v4;
	v63 =	vand.u32 $0xFFFFFC00, v3  }
0x10: {  	v2 =	vand.u32 $0x380, v2;
	v0 =	vadd.s32 v63, v0  }
0x11: {  	v3 =	vand.u32 $0x7F, v3;
	v0 =	vor.u32 v2, v0  }
0x12: {  	v0 =	vor.u32 v3, v0;
	_ =	sdelay $0x1  }
0x13: {  	(ifvalue) =	ssetifvalue $0x7FFFFFFF;
	s15 =	sadd.s32 $0x10, s15  }
0x14: {  	[tilespmem:s15], [sflag:$0x1] =	stream.indirect_vreg.gather [hbm4b:s3+s10], $0x1, v1, vm0, $0x4038;
	[tilespmem:$0x400] =	vst v63  }
0x15: {  	(ifvalue) =	ssetifvalue $0x7FFFFFFF;
	s15 =	sadd.s32 $0x10, s15  }
0x16: {  	[tilespmem:s15], [sflag:$0x1] =	stream.indirect_vreg.gather [hbm4b:s3+s10], $0x1, v0, vm0, $0x4038;
	[tilespmem:$0x400] =	vst v63  }
0x17: {  	_ =	swait.ge [sflag:s6], $0x100  }
0x18: {  	s30 =	sshrl.u32 s13, $0x3;
	[sflag:s6] =	ssyncset.done $0x0  }
0x19: {  	s31 =	sand.u32 $0x7, s13;
	s15 =	sadd.s32 s5, s30;
	[sflag:s6] =	ssyncadd.s32 $0xFFFFFF00  }
0x1a: {  	[hbm4b:s15+s31] =	stream.linear.scatter [tilespmem:s14], [sflag:$0x3], $0x100, $0x38;
	[tilespmem:$0x400] =	vst v63  }
.LBB2_5:
0x1b: {  	s15 =	sadd.s32 $0x2000, s11  }
0x1c: {  	p2 =	sgt.s32 s15, $0x2FFF  }
0x1d: {  	s15 =	smov.u32 @p2 s2;
	p2 =	sne.s32 s12, s9  }
.Ltmp1:
0x1e: {  	p1 =	slt.u32 s12, $0x2;
	(pc) =	sbr.rel @!p2 .LBB2_6-.Ltmp1, $4  }
0x1f: {  	s14 =	simm.s32 @!p1 $0x3  }
0x20: {  	s16 =	sadd.s32 $0x1, s12;
	_ =	swait.ge @!p1 [sflag:s14], $0x100  }
0x21: {  	s13 =	smov.u32 s11;
	p0 =	por !p0, !p0;
	[sflag:s14] =	ssyncset.done @!p1 $0x0  }
0x22: {  	s12 =	smov.u32 s16;
	s11 =	smov.u32 s15;
	[sflag:s14] =	ssyncadd.s32 @!p1 $0xFFFFFF00  }
.LBB2_1:
0x23: {  	p1 =	sge.u32 s12, s8  }
0x24: {  	s14 =	sxor.u32 @!p1 $0xFFFFFFFF, s12  }
0x25: {  	s31 =	sadd.s32 $0xFFFFFFFF, s12;
	s15 =	sshrl.u32 @!p1 s11, $0x3;
	s14 =	sshll.u32 @!p1 s14, $0x8  }
0x26: {  	s16 =	sand.u32 @!p1 $0x7, s11;
	s15 =	sadd.s32 @!p1 s4, s15;
	s14 =	sand.u32 @!p1 $0x100, s14  }
0x27: {  	[tilespmem:s14], [sflag:$0x2] =	stream.linear.gather @!p1 [hbm4b:s15+s16], $0x100, $0x38;
	[tilespmem:$0x400] =	vst v63  }
0x28: {  	p1 =	sge.u32 s31, s8  }
.Ltmp2:
0x29: {  	_ = 	snop;
	(pc) =	sbr.rel @p1 .LBB2_5-.Ltmp2, $1  }
0x2a: {  	_ =	sdelay $0x3  }
0x2b: {  	s14 =	simm.s32 $0x1  }
0x2c: {  	_ =	swait.ge [sflag:s7], $0x100;
	s14 =	simm.s32 @!p0 $0x0  }
0x2d: {  	[sflag:s7] =	ssyncset.done $0x0;
	s14 =	sshll.u32 s14, $0x8  }
0x2e: {  	[sflag:s7] =	ssyncadd.s32 $0xFFFFFF00;
	(ifvalue) =	ssetifvalue $0x7FFFFFFF;
	v0 =	vld.msk [tilespmem:s14+$0x0 ss:$0x1], $0xffff;
	_ =	sdelay $0x2  }
0x2f: {  	s15 =	sadd.s32 $0x10, s14  }
0x30: {  	v3 =	vld.msk [tilespmem:s15+$0x0 ss:$0x1], $0xffff  }
0x31: {  	vm1 =	veq.s32 v0, $0x80000000;
	v1 =	vshll.u32 v0, $0x4  }
0x32: {  	v2 =	vshrl.u32 v0, $0xC;
	v0 =	vshll.u32 v0, $0x10;
	v1 =	vand.u32 $0xFF80, v1  }
0x33: {  	v2 =	vand.u32 $0x7F, v2;
	v0 =	vand.u32 $0x70000, v0;
	v1 =	vsel vm1, $0xFFFFFF80, v1  }
0x34: {  	v2 =	vsel vm1, $0xFFFFFFFF, v2;
	v0 =	vsel vm1, $0xFFFF0000, v0;
	v4 =	vand.u32 $0xFFFFFC00, v1  }
0x35: {  	v62 =	vshrl.u32 v3, $0xC;
	v61 =	vand.u32 $0xFFFFFC00, v2;
	v0 =	vadd.s32 v0, v4  }
0x36: {  	vm1 =	veq.s32 v3, $0x80000000;
	v1 =	vand.u32 $0x380, v1;
	v0 =	vadd.s32 v61, v0  }
0x37: {  	v2 =	vand.u32 $0x7F, v2;
	v0 =	vor.u32 v1, v0;
	v1 =	vshll.u32 v3, $0x4  }
0x38: {  	s17 =	sadd.s32 $0x10, s15;
	v4 =	vand.u32 $0x7F, v62;
	v3 =	vshll.u32 v3, $0x10;
	v1 =	vand.u32 $0xFF80, v1  }
0x39: {  	v2 =	vor.u32 v2, v0;
	v0 =	vld.msk [tilespmem:s17+$0x0 ss:$0x1], $0xffff;
	v3 =	vand.u32 $0x70000, v3;
	v1 =	vsel vm1, $0xFFFFFF80, v1  }
0x3a: {  	v4 =	vsel vm1, $0xFFFFFFFF, v4;
	v3 =	vsel vm1, $0xFFFF0000, v3;
	v5 =	vand.u32 $0xFFFFFC00, v1  }
0x3b: {  	s31 =	sshll.u32 s12, $0x8;
	v63 =	vand.u32 $0xFFFFFC00, v4;
	v3 =	vadd.s32 v3, v5  }
0x3c: {  	s16 =	simm.s32 $0x20;
	s15 =	sor.u32 $0x200, s14;
	s14 =	sand.u32 $0x100, s31;
	v1 =	vand.u32 $0x380, v1;
	v3 =	vadd.s32 v63, v3  }
0x3d: {  	s14 =	sor.u32 $0x200, s14;
	v4 =	vand.u32 $0x7F, v4;
	(ifvalue) =	ssetifvalue $0x7FFFFFFF;
	s17 =	sadd.s32 $0x10, s17;
	v1 =	vor.u32 v1, v3  }
0x3e: {  	[tilespmem:s15], [sflag:$0x1] =	stream.indirect_vreg.gather [hbm4b:s3+s10], $0x1, v2, vm0, $0x4038;
	vm1 =	veq.s32 v0, $0x80000000;
	v2 =	vshll.u32 v0, $0x4;
	v1 =	vor.u32 v4, v1;
	[tilespmem:$0x400] =	vst v63  }
.LBB2_3:
0x3f: {  	s16 =	sadd.s32 $0x10, s16;
	v3 =	vshrl.u32 v0, $0xC;
	v4 =	vshll.u32 v0, $0x10;
	v0 =	vld.msk [tilespmem:s17+$0x0 ss:$0x1], $0xffff;
	v2 =	vand.u32 $0xFF80, v2  }
0x40: {  	p1 =	slt.u32 s16, $0xF0;
	v3 =	vand.u32 $0x7F, v3;
	v4 =	vand.u32 $0x70000, v4;
	v2 =	vsel vm1, $0xFFFFFF80, v2  }
.Ltmp3:
0x41: {  	v3 =	vsel vm1, $0xFFFFFFFF, v3;
	v4 =	vsel vm1, $0xFFFF0000, v4;
	v5 =	vand.u32 $0xFFFFFC00, v2;
	(pc) =	sbr.rel @p1 .LBB2_3-.Ltmp3, $4  }
0x42: {  	s15 =	sadd.s32 $0x10, s15;
	v4 =	vadd.s32 v4, v5;
	v5 =	vand.u32 $0xFFFFFC00, v3;
	(ifvalue) =	ssetifvalue $0x7FFFFFFF  }
0x43: {  	v2 =	vand.u32 $0x380, v2;
	v4 =	vadd.s32 v5, v4;
	[tilespmem:s15], [sflag:$0x1] =	stream.indirect_vreg.gather [hbm4b:s3+s10], $0x1, v1, vm0, $0x4038;
	[tilespmem:$0x400] =	vst v63  }
0x44: {  	v1 =	vand.u32 $0x7F, v3;
	v3 =	vor.u32 v2, v4  }
0x45: {  	s17 =	sadd.s32 $0x10, s17;
	vm1 =	veq.s32 v0, $0x80000000;
	v2 =	vshll.u32 v0, $0x4;
	v1 =	vor.u32 v1, v3  }
.Ltmp4:
0x46: {  	_ = 	snop;
	(pc) =	sbr.rel .LBB2_4-.Ltmp4, $1  }
0x47: {  	_ =	sdelay $0x3  }
.LBB2_6:
0x48: {  	_ =	sfence.sel $0x180000  }
0x49: {  	s2 =	simm.s32 $0x2;
	[bflag:$0x0] =	sbarrier.arrive $0xFFFF  }
0x4a: {  	s30 =	simm.s32 $0x3;
	[sflag:s2] =	ssyncpa.u1 $0x1  }
0x4b: {  	s31 =	simm.s32 $0x1;
	[sflag:s30] =	ssyncpa.u1 $0x1  }
0x4c: {  	[sflag:s31] =	ssyncpa.u1 $0x1  }
0x4d: {  	p0 =	sne.s32 s1, $0x0;
	_ =	strace $0x9000004A  }
0x4e: {  	s0 =	sadd.s32 @!p0 $0x100000, s0;
	[bflag:$0x2] =	sbarrier.arrive $0xFFFF  }
0x4f: {  	[sflag:s0] =	ssyncadd.tile.s32 @!p0 $0x1;
	_ =	shalt  }
.Lfunc_end2:
_tile_overlayer_lowered:
.L_overlay_start_2:
0x50: {  	(tag) =	ssettag $0x2  }
0x51: {  	s0 =	rddreg [dreg:$0x0];
	s2 =	stileid.u32  }
0x52: {  	s1 =	rddreg [dreg:$0x1];
	p0 =	sne.s32 s2, $0x0  }
0x53: {  	s3 =	rddreg [dreg:$0x2];
	[bflag:$0x3] =	sbarrier.arrive $0xFFFF;
	s2 =	simm.s32 @!p0 $0x1C01  }
0x54: {  	[timem:s3], [sflag:s2] =	dma.local @!p0 [hbm:s0], s1  }
0x55: {  	s0 =	simm.s32 @!p0 $0x1  }
0x56: {  	_ =	swait.ge @!p0 [sflag:s0], s1  }
0x57: {  	s1 =	ssub.s32 @!p0 $0x0, s1;
	[sflag:s0] =	ssyncset.done @!p0 $0x0  }
0x58: {  	[sflag:s0] =	ssyncadd.s32 @!p0 s1  }
0x59: {  	[bflag:$0x3] =	sbarrier.arrive $0xFFFF  }
0x5a: {  	_ =	shalt  }

// kernel: gather_offload_async_start.2
scs
__scs_entry_jumppad:
0x0: {  	(pc) =	sbr.rel $0x88, $3  }
0x1: {  	(tag) =	ssettag $0x0;
	lr =	simm.s32 $0x1  }
0x2: {  	[smem:$0x3F5A] =	sst lr;
	_ =	strace $0xD0000000  }
0x3: {  	_ = 	snop  }
0x4: {  	_ = 	snop  }
0x5: {  	_ = 	snop  }
0x6: {  	_ = 	snop  }
0x7: {  	_ = 	snop  }
__scs_overlays_trampoline_lowered:
0x8: {  	[smem:$0x3F69] =	sst s0  }
0x9: {  	[smem:$0x3F6A] =	sst s1  }
0xa: {  	[smem:$0x3F6B] =	sst s2  }
0xb: {  	[smem:$0x3F6C] =	sst s3  }
0xc: {  	[smem:$0x3F6D] =	sst s4  }
0xd: {  	[smem:$0x3F6E] =	sst s5  }
0xe: {  	[smem:$0x3F6F] =	sst s6  }
0xf: {  	[smem:$0x3F70] =	sst s7  }
0x10: {  	[smem:$0x3F71] =	sst s8  }
0x11: {  	[smem:$0x3F72] =	sst s9;
	s0 =	simm.s32 @!p0 $0x0  }
0x12: {  	s1 =	sld [smem:$0x3F58];
	s0 =	simm.s32 @p0 $0x1  }
0x13: {  	[smem:$0x3F73] =	sst s0;
	s0 =	simm.s32 @!p1 $0x0  }
0x14: {  	s2 =	sld [smem:$0x3F57];
	s0 =	simm.s32 @p1 $0x1  }
0x15: {  	[smem:$0x3F74] =	sst s0;
	s0 =	simm.s32 @!p2 $0x0  }
0x16: {  	s3 =	sld [smem:$0x3FDB];
	s0 =	simm.s32 @p2 $0x1  }
0x17: {  	s4 =	simm.s32 $0x1BF5;
	[smem:$0x3F76] =	sst s0  }
0x18: {  	s0 =	sld [smem:$0x3F59];
	_ =	swait.ge [sflag:s4], $0x0  }
0x19: {  	s7 =	sld [smem:$0x3F5A]  }
0x1a: {  	s8 =	sadd.s32 $0xFFFFE003, lr  }
0x1b: {  	s9 =	sadd.s32 $0xFFFFFEF7, lr;
	s5 =	simm.s32 $0xFFFFFFFF;
	p2 =	slt.u32 s8, $0xFFFFF086  }
0x1c: {  	p1 =	slt.u32 s9, $0xF7A;
	s5 =	simm.s32 @!p2 $0x0  }
0x1d: {  	s5 =	simm.s32 @p1 $0x1;
	p0 =	seq.s32 s7, s2  }
0x1e: {  	s7 =	smul.u32 @!p0 $0xF7A, s2;
	p2 =	seq.s32 @!p0 s5, $0x0  }
0x1f: {  	s9 =	smul.u32 $0xF7A, s1;
	s8 =	simm.s32 @!p0 $0x1BF5;
	p2 =	por !p2, p0  }
0x20: {  	[sflag:s8] =	ssyncset.s32 @!p0 $0xFFFFF086;
	s6 =	sadd.s32 @!p0 s3, s7;
	s7 =	simm.s32 @!p0 $0x108  }
0x21: {  	s3 =	sadd.s32 s3, s9;
	s6 =	sadd.s32 @!p0 $0x88, s6;
	s7 =	simm.s32 @p2 $0x1082  }
0x22: {  	[simem:s7], [sflag:s8] =	dma.local @!p0 [hbm:s6], $0xF7A  }
0x23: {  	s9 =	sor.u32 $0xD0000000, s2;
	s6 =	simm.s32 $0x108;
	_ =	swait.ge @!p0 [sflag:s8], $0x0  }
0x24: {  	s3 =	sadd.s32 $0x88, s3;
	s6 =	simm.s32 @!p1 $0x1082;
	[sflag:s4] =	ssyncset.s32 $0xFFFFF086  }
0x25: {  	[simem:s6], [sflag:s4] =	dma.local [hbm:s3], $0xF7A  }
0x26: {  	[smem:$0x3F5A] =	sst s1;
	(tag) =	ssettag s2;
	_ =	strace s9  }
0x27: {  	s1 =	sld [smem:$0x3F6A]  }
0x28: {  	s2 =	sld [smem:$0x3F6B]  }
0x29: {  	s4 =	sld [smem:$0x3F6D]  }
0x2a: {  	p0 =	seq.s32 s5, $0x0;
	s5 =	sld [smem:$0x3F6E]  }
0x2b: {  	s6 =	sld [smem:$0x3F6F]  }
0x2c: {  	s7 =	sld [smem:$0x3F70]  }
0x2d: {  	s3 =	simm.s32 $0x108;
	s8 =	sld [smem:$0x3F71]  }
0x2e: {  	s3 =	simm.s32 @!p0 $0x1082;
	s9 =	sld [smem:$0x3F72]  }
0x2f: {  	lr =	sadd.s32 s0, s3;
	s0 =	sld [smem:$0x3F69]  }
0x30: {  	s3 =	sld [smem:$0x3F6C]  }
0x31: {  	[smem:$0x3F75] =	sst s10  }
0x32: {  	s10 =	sld [smem:$0x3F73];
	_ =	sdelay $0x3  }
0x33: {  	p0 =	seq.s32 s10, $0x1;
	s10 =	sld [smem:$0x3F75];
	_ =	sdelay $0x3  }
0x34: {  	[smem:$0x3F75] =	sst s10  }
0x35: {  	s10 =	sld [smem:$0x3F74];
	_ =	sdelay $0x3  }
0x36: {  	p1 =	seq.s32 s10, $0x1;
	s10 =	sld [smem:$0x3F75];
	_ =	sdelay $0x3  }
0x37: {  	[smem:$0x3F75] =	sst s10  }
0x38: {  	s10 =	sld [smem:$0x3F76]  }
0x39: {  	_ = 	snop;
	(pc) =	sbr.ind lr, $3  }
0x3a: {  	_ = 	snop  }
0x3b: {  	_ = 	snop  }
0x3c: {  	p2 =	seq.s32 s10, $0x1;
	s10 =	sld [smem:$0x3F75]  }
0x3d: {  	_ =	shalt  }
0x3e: {  	_ =	shalt  }
0x3f: {  	_ =	shalt  }
0x40: {  	_ =	shalt  }
0x41: {  	_ =	shalt  }
0x42: {  	_ =	shalt  }
0x43: {  	_ =	shalt  }
0x44: {  	_ =	shalt  }
0x45: {  	_ =	shalt  }
0x46: {  	_ =	shalt  }
0x47: {  	_ =	shalt  }
0x48: {  	_ =	shalt  }
0x49: {  	_ =	shalt  }
0x4a: {  	_ =	shalt  }
0x4b: {  	_ =	shalt  }
0x4c: {  	_ =	shalt  }
0x4d: {  	_ =	shalt  }
0x4e: {  	_ =	shalt  }
0x4f: {  	_ =	shalt  }
0x50: {  	_ =	shalt  }
0x51: {  	_ =	shalt  }
0x52: {  	_ =	shalt  }
0x53: {  	_ =	shalt  }
0x54: {  	_ =	shalt  }
0x55: {  	_ =	shalt  }
0x56: {  	_ =	shalt  }
0x57: {  	_ =	shalt  }
0x58: {  	_ =	shalt  }
0x59: {  	_ =	shalt  }
0x5a: {  	_ =	shalt  }
0x5b: {  	_ =	shalt  }
0x5c: {  	_ =	shalt  }
0x5d: {  	_ =	shalt  }
0x5e: {  	_ =	shalt  }
0x5f: {  	_ =	shalt  }
0x60: {  	_ =	shalt  }
0x61: {  	_ =	shalt  }
0x62: {  	_ =	shalt  }
0x63: {  	_ =	shalt  }
0x64: {  	_ =	shalt  }
0x65: {  	_ =	shalt  }
0x66: {  	_ =	shalt  }
0x67: {  	_ =	shalt  }
0x68: {  	_ =	shalt  }
0x69: {  	_ =	shalt  }
0x6a: {  	_ =	shalt  }
0x6b: {  	_ =	shalt  }
0x6c: {  	_ =	shalt  }
0x6d: {  	_ =	shalt  }
0x6e: {  	_ =	shalt  }
0x6f: {  	_ =	shalt  }
0x70: {  	_ =	shalt  }
0x71: {  	_ =	shalt  }
0x72: {  	_ =	shalt  }
0x73: {  	_ =	shalt  }
0x74: {  	_ =	shalt  }
0x75: {  	_ =	shalt  }
0x76: {  	_ =	shalt  }
0x77: {  	_ =	shalt  }
0x78: {  	_ =	shalt  }
0x79: {  	_ =	shalt  }
0x7a: {  	_ =	shalt  }
0x7b: {  	_ =	shalt  }
0x7c: {  	_ =	shalt  }
0x7d: {  	_ =	shalt  }
0x7e: {  	_ =	shalt  }
0x7f: {  	_ =	shalt  }
0x80: {  	_ =	shalt  }
0x81: {  	_ =	shalt  }
0x82: {  	_ =	shalt  }
0x83: {  	_ =	shalt  }
0x84: {  	_ =	shalt  }
0x85: {  	_ =	shalt  }
0x86: {  	_ =	shalt  }
0x87: {  	_ =	shalt  }
.Lfunc_end0:
.L_simem_size_0:
called_computation.2_lowered:
.L_overlay_start_0:
0x88: {  	s2 =	sld [smem:$0x3FD9]  }
0x89: {  	s3 =	sld [smem:$0x3FFE];
	_ =	sdelay $0x1  }
0x8a: {  	s1 =	srdreg.scid  }
0x8b: {  	s0 =	sand.u32 $0x1, s1  }
0x8c: {  	s17 =	sshll.u32 s0, $0xA;
	s2 =	sadd.s32 s3, s2  }
0x8d: {  	s2 =	sadd.s32 s2, s17  }
0x8e: {  	[smem:$0x3F81] =	sst s2  }
0x8f: {  	_ = 	snop  }
0x90: {  	s2 =	sld [smem:$0x3FD0];
	(tm) =	ssettm $0x1  }
0x91: {  	s18 =	sld [smem:$0x3FFB];
	_ =	sdelay $0x3  }
0x92: {  	_ =	strace s18  }
0x93: {  	s3 =	sld [smem:$0x3FFC];
	_ =	sdelay $0x3  }
0x94: {  	_ =	strace s3  }
0x95: {  	s3 =	sld [smem:$0x3FFD];
	_ =	sdelay $0x3  }
0x96: {  	_ =	strace s3  }
0x97: {  	_ =	strace $0x8FFFFFFF  }
0x98: {  	s19 =	sld [smem:$0x3FDB];
	_ =	sdelay $0x1  }
0x99: {  	s4 =	simm.s32 $_scs_section_size  }
0x9a: {  	s5 =	simm.s32 $_size__tile_overlayer_lowered;
	s6 =	simm.s32 $_tile_overlayer_lowered  }
0x9b: {  	s22 =	simm.s32 $0x1BFF;
	s21 =	sshll.u32 s6, $0x1;
	s3 =	sadd.s32 s4, s19  }
0x9c: {  	s7 =	simm.s32 $0x0;
	s20 =	sshll.u32 s5, $0x1;
	s5 =	sadd.s32 s21, s3  }
0x9d: {  	[timem:s7], [sflag:s22] =	dma.local [hbm:s5], s20  }
0x9e: {  	_ =	swait.ge [sflag:s22], s20  }
0x9f: {  	s4 =	ssub.s32 $0x0, s20;
	[sflag:s22] =	ssyncset.done $0x0  }
0xa0: {  	[sflag:s22] =	ssyncadd.s32 s4;
	_ =	sdelay $0x1  }
0xa1: {  	s23 =	simm.s32 $0x1B8B  }
0xa2: {  	_ =	swait.ge [sflag:s23], $0x1  }
0xa3: {  	[sflag:s23] =	ssyncset.done $0x0  }
0xa4: {  	s25 =	simm.s32 $0x1B8E;
	s24 =	sld [smem:$0x3FFE];
	[sflag:s23] =	ssyncadd.s32 $0xFFFFFFFF  }
0xa5: {  	s26 =	simm.s32 $execute0_lowered;
	[smem:$0x3FD2] =	sst s25  }
0xa6: {  	s5 =	sshll.u32 s26, $0x1;
	_ =	strace $0x8000004C;
	[dreg:$0x1] =	wrdreg $0xFFFFFFFF  }
0xa7: {  	s28 =	simm.s32 $_size_execute0_lowered;
	s3 =	sadd.s32 s3, s5;
	[dreg:$0x0] =	wrdreg $0x0  }
0xa8: {  	s5 =	sshll.u32 s28, $0x1;
	[dreg:$0x2] =	wrdreg s3  }
0xa9: {  	[dreg:$0x3] =	wrdreg s5  }
0xaa: {  	[dreg:$0x4] =	wrdreg $0xC0  }
0xab: {  	_ =	task [dreg:s7], $0x5FFFF  }
0xac: {  	[dreg:$0x1] =	wrdreg $0xFFFFFFFF  }
0xad: {  	[dreg:$0x0] =	wrdreg $0x60  }
0xae: {  	[dreg:$0x2] =	wrdreg s24  }
0xaf: {  	[dreg:$0x3] =	wrdreg s2  }
0xb0: {  	[dreg:$0x4] =	wrdreg $0x9  }
0xb1: {  	_ =	task.clear_ibuf [dreg:s7], $0x5FFFF;
	_ =	strace $0x9000004C  }
0xb2: {  	s29 =	simm.s32 $0x9;
	_ =	strace $0x8000004E  }
0xb3: {  	_ =	swait.ge [sflag:s29], $0x1  }
0xb4: {  	[sflag:s29] =	ssyncadd.s32 $0xFFFFFFFF  }
0xb5: {  	_ =	strace $0x9000004E  }
0xb6: {  	_ =	sfence  }
0xb7: {  	s30 =	sld [smem:$0x0];
	_ =	sdelay $0x2  }
0xb8: {  	s31 =	sshll.u32 s1, $0xD;
	s1 =	sshrl.u32 s1, $0x2  }
0xb9: {  	s3 =	sand.u32 $0x4000, s31;
	s1 =	sadd.s32 s1, s30  }
0xba: {  	s0 =	sor.u32 s3, s0;
	s1 =	sshll.u32 s1, $0x11  }
0xbb: {  	s0 =	sor.u32 s1, s0  }
0xbc: {  	s0 =	sadd.s32 $0x8F2B, s0  }
0xbd: {  	[sflag:s0] =	ssyncadd.remote.s32 $0x1  }
0xbe: {  	_ =	sfence.sel $0xFFFF  }
0xbf: {  	[dreg:$0x0] =	wrdreg $0xFFFFFFFF;
	(pc) =	sbr.abs _section_cstart, $3  }
0xc0: {  	[dreg:$0x1] =	wrdreg $0xFFFFFFFF  }
0xc1: {  	_ =	task.clear_ibuf [dreg:s7], $0x2FFFF;
	_ =	strace $0x9FFFFFFF  }
0xc2: {  	(tm) =	ssettm $0x7FFFFFFF  }
0xc3: {  	_ =	shalt  }
tec
execute0_lowered:
.L_overlay_start_1:
0x0: {  	(tag) =	ssettag $0x1  }
0x1: {  	s1 =	srdreg.scid;
	s5 =	rddreg [dreg:$0x0]  }
0x2: {  	s0 =	stileid.u32;
	s2 =	rddreg [dreg:$0x1];
	s6 =	simm.s32 $0x1  }
0x3: {  	s9 =	simm.s32 $0x1;
	s10 =	simm.s32 $0x3;
	s1 =	sshll.u32 s1, $0xB  }
0x4: {  	s13 =	simm.s32 $0x0;
	s3 =	sshll.u32 s0, $0xC;
	s4 =	sand.u32 $0x800, s1  }
0x5: {  	s12 =	simm.s32 $0x0;
	s1 =	rddreg [dreg:$0x2];
	s3 =	sor.u32 s3, s4  }
0x6: {  	_ =	strace $0x8000004D;
	s4 =	sadd.s32 $0xB7600, s5;
	s8 =	ssub.s32 $0x18000, s3  }
.Ltmp0:
0x7: {  	s5 =	sadd.s32 $0x80000, s5;
	s7 =	sand.u32 $0xF800, s8;
	(pc) =	sbr.rel .LBB2_1-.Ltmp0, $4  }
0x8: {  	[sflag:s6] =	ssyncpa.u1 $0x0;
	s11 =	smov.u32 s3;
	p0 =	sne.s32 s7, $0x0  }
0x9: {  	s8 =	sshrl.u32 s8, $0x10;
	s7 =	simm.s32 $0x2;
	s9 =	simm.s32 @!p0 $0x0  }
0xa: {  	[sflag:s7] =	ssyncpa.u1 $0x0;
	p0 =	por $0x0, $0x0;
	s8 =	sadd.s32 s9, s8  }
0xb: {  	vm0 =	vmmov $0xffff;
	[sflag:s10] =	ssyncpa.u1 $0x0;
	s10 =	simm.s32 $0x0;
	s9 =	sadd.s32 $0x1, s8  }
.LBB2_4:
0xc: {  	v3 =	vshrl.u32 v0, $0x3;
	v4 =	vshrl.u32 v0, $0xF;
	v1 =	vor.u32 v1, v2  }
0xd: {  	v62 =	vshll.u32 v0, $0x15;
	v60 =	vand.u32 $0xFFF, v3;
	v61 =	vand.u32 $0x1FF, v4  }
0xe: {  	v0 =	vand.u32 $0xE00000, v62;
	v2 =	vsel vm1, $0xFFFFFFFF, v60;
	v3 =	vsel vm1, $0xFFFFFFFF, v61  }
0xf: {  	v0 =	vsel vm1, $0xFFE00000, v0;
	v63 =	vand.u32 $0x7F, v2;
	v5 =	vshll.u32 v3, $0xC  }
0x10: {  	v2 =	vshll.u32 v2, $0x3;
	v5 =	vand.u32 $0xFFFF8000, v5;
	v0 =	vor.u32 v0, v63  }
0x11: {  	v3 =	vshll.u32 v3, $0x7;
	v2 =	vand.u32 $0xFFFFFC00, v2;
	v0 =	vadd.s32 v5, v0  }
0x12: {  	v3 =	vand.u32 $0x380, v3;
	v0 =	vadd.s32 v2, v0  }
0x13: {  	v0 =	vor.u32 v3, v0;
	_ =	sdelay $0x1  }
0x14: {  	(ifvalue) =	ssetifvalue $0x7FFFFFFF;
	s14 =	sadd.s32 $0x10, s14  }
0x15: {  	[tilespmem:s14], [sflag:$0x1] =	stream.indirect_vreg.gather [hbm4b:s4+s10], $0x1, v1, vm0, $0x4038;
	[tilespmem:$0x2000] =	vst v63  }
0x16: {  	(ifvalue) =	ssetifvalue $0x7FFFFFFF;
	s14 =	sadd.s32 $0x10, s14  }
0x17: {  	[tilespmem:s14], [sflag:$0x1] =	stream.indirect_vreg.gather [hbm4b:s4+s10], $0x1, v0, vm0, $0x4038;
	[tilespmem:$0x2000] =	vst v63  }
0x18: {  	_ =	swait.ge [sflag:s6], $0x800  }
0x19: {  	s30 =	sshrl.u32 s13, $0x3;
	[sflag:s6] =	ssyncset.done $0x0  }
0x1a: {  	s31 =	sand.u32 $0x7, s13;
	s14 =	sadd.s32 s2, s30;
	[sflag:s6] =	ssyncadd.s32 $0xFFFFF800  }
0x1b: {  	[hbm4b:s14+s31] =	stream.linear.scatter [tilespmem:s15], [sflag:$0x3], $0x800, $0x38;
	[tilespmem:$0x2000] =	vst v63  }
.LBB2_5:
0x1c: {  	s15 =	sadd.s32 $0x10000, s11  }
0x1d: {  	p2 =	sgt.s32 s15, $0x17FFF  }
0x1e: {  	s15 =	smov.u32 @p2 s3;
	p2 =	sne.s32 s12, s9  }
.Ltmp1:
0x1f: {  	p1 =	slt.u32 s12, $0x2;
	(pc) =	sbr.rel @!p2 .LBB2_6-.Ltmp1, $4  }
0x20: {  	s14 =	simm.s32 @!p1 $0x3  }
0x21: {  	s16 =	sadd.s32 $0x1, s12;
	_ =	swait.ge @!p1 [sflag:s14], $0x800  }
0x22: {  	s13 =	smov.u32 s11;
	p0 =	por !p0, !p0;
	[sflag:s14] =	ssyncset.done @!p1 $0x0  }
0x23: {  	s12 =	smov.u32 s16;
	s11 =	smov.u32 s15;
	[sflag:s14] =	ssyncadd.s32 @!p1 $0xFFFFF800  }
.LBB2_1:
0x24: {  	p1 =	sge.u32 s12, s8  }
0x25: {  	s14 =	sxor.u32 @!p1 $0xFFFFFFFF, s12  }
0x26: {  	s31 =	sadd.s32 $0xFFFFFFFF, s12;
	s15 =	sshrl.u32 @!p1 s11, $0x3;
	s14 =	sshll.u32 @!p1 s14, $0xB  }
0x27: {  	s16 =	sand.u32 @!p1 $0x7, s11;
	s15 =	sadd.s32 @!p1 s5, s15;
	s14 =	sand.u32 @!p1 $0x800, s14  }
0x28: {  	[tilespmem:s14], [sflag:$0x2] =	stream.linear.gather @!p1 [hbm4b:s15+s16], $0x800, $0x38;
	[tilespmem:$0x2000] =	vst v63  }
0x29: {  	p1 =	sge.u32 s31, s8  }
.Ltmp2:
0x2a: {  	_ = 	snop;
	(pc) =	sbr.rel @p1 .LBB2_5-.Ltmp2, $1  }
0x2b: {  	_ =	sdelay $0x3  }
0x2c: {  	s14 =	simm.s32 $0x1  }
0x2d: {  	_ =	swait.ge [sflag:s7], $0x800;
	s14 =	simm.s32 @!p0 $0x0  }
0x2e: {  	[sflag:s7] =	ssyncset.done $0x0;
	s14 =	sshll.u32 s14, $0xB  }
0x2f: {  	[sflag:s7] =	ssyncadd.s32 $0xFFFFF800;
	(ifvalue) =	ssetifvalue $0x7FFFFFFF;
	v0 =	vld.msk [tilespmem:s14+$0x0 ss:$0x1], $0xffff;
	_ =	sdelay $0x4  }
0x30: {  	s15 =	sadd.s32 $0x10, s14;
	vm1 =	veq.s32 v0, $0x80000000;
	v1 =	vshrl.u32 v0, $0x3;
	v2 =	vshrl.u32 v0, $0xF  }
0x31: {  	v3 =	vld.msk [tilespmem:s15+$0x0 ss:$0x1], $0xffff;
	v0 =	vshll.u32 v0, $0x15;
	v1 =	vand.u32 $0xFFF, v1;
	v2 =	vand.u32 $0x1FF, v2  }
0x32: {  	v0 =	vand.u32 $0xE00000, v0;
	v1 =	vsel vm1, $0xFFFFFFFF, v1;
	v2 =	vsel vm1, $0xFFFFFFFF, v2  }
0x33: {  	v0 =	vsel vm1, $0xFFE00000, v0;
	v4 =	vand.u32 $0x7F, v1;
	v5 =	vshll.u32 v2, $0xC  }
0x34: {  	v1 =	vshll.u32 v1, $0x3;
	v5 =	vand.u32 $0xFFFF8000, v5;
	v0 =	vor.u32 v0, v4  }
0x35: {  	v2 =	vshll.u32 v2, $0x7;
	v1 =	vand.u32 $0xFFFFFC00, v1;
	v0 =	vadd.s32 v5, v0  }
0x36: {  	v62 =	vshrl.u32 v3, $0xF;
	v2 =	vand.u32 $0x380, v2;
	v0 =	vadd.s32 v1, v0  }
0x37: {  	s17 =	sadd.s32 $0x10, s15;
	vm1 =	veq.s32 v3, $0x80000000;
	v1 =	vor.u32 v2, v0;
	v2 =	vshrl.u32 v3, $0x3  }
0x38: {  	v4 =	vand.u32 $0x1FF, v62;
	v0 =	vld.msk [tilespmem:s17+$0x0 ss:$0x1], $0xffff;
	v3 =	vshll.u32 v3, $0x15;
	v2 =	vand.u32 $0xFFF, v2  }
0x39: {  	v4 =	vsel vm1, $0xFFFFFFFF, v4;
	v3 =	vand.u32 $0xE00000, v3;
	v2 =	vsel vm1, $0xFFFFFFFF, v2  }
0x3a: {  	s31 =	sshll.u32 s12, $0xB;
	v6 =	vshll.u32 v4, $0xC;
	v3 =	vsel vm1, $0xFFE00000, v3;
	v63 =	vand.u32 $0x7F, v2  }
0x3b: {  	s14 =	sor.u32 $0x1000, s14;
	s15 =	sand.u32 $0x800, s31;
	(ifvalue) =	ssetifvalue $0x7FFFFFFF;
	v6 =	vand.u32 $0xFFFF8000, v6;
	v2 =	vshll.u32 v2, $0x3;
	v3 =	vor.u32 v3, v63  }
0x3c: {  	v2 =	vand.u32 $0xFFFFFC00, v2;
	[tilespmem:s14], [sflag:$0x1] =	stream.indirect_vreg.gather [hbm4b:s4+s10], $0x1, v1, vm0, $0x4038;
	v1 =	vshll.u32 v4, $0x7;
	v3 =	vadd.s32 v6, v3;
	[tilespmem:$0x2000] =	vst v63  }
0x3d: {  	s16 =	simm.s32 $0x20;
	s15 =	sor.u32 $0x1000, s15;
	s17 =	sadd.s32 $0x10, s17;
	vm1 =	veq.s32 v0, $0x80000000;
	v1 =	vand.u32 $0x380, v1;
	v2 =	vadd.s32 v2, v3  }
.LBB2_3:
0x3e: {  	v3 =	vld.msk [tilespmem:s17+$0x0 ss:$0x1], $0xffff;
	v4 =	vshrl.u32 v0, $0x3;
	v5 =	vshrl.u32 v0, $0xF;
	v1 =	vor.u32 v1, v2;
	s16 =	sadd.s32 $0x10, s16  }
0x3f: {  	v0 =	vshll.u32 v0, $0x15;
	v2 =	vand.u32 $0xFFF, v4;
	v4 =	vand.u32 $0x1FF, v5;
	p1 =	slt.u32 s16, $0x7F0  }
.Ltmp3:
0x40: {  	v0 =	vand.u32 $0xE00000, v0;
	v2 =	vsel vm1, $0xFFFFFFFF, v2;
	v4 =	vsel vm1, $0xFFFFFFFF, v4;
	(pc) =	sbr.rel @p1 .LBB2_3-.Ltmp3, $4  }
0x41: {  	v0 =	vsel vm1, $0xFFE00000, v0;
	v5 =	vand.u32 $0x7F, v2;
	v6 =	vshll.u32 v4, $0xC  }
0x42: {  	s14 =	sadd.s32 $0x10, s14;
	v2 =	vshll.u32 v2, $0x3;
	v6 =	vand.u32 $0xFFFF8000, v6;
	v7 =	vor.u32 v0, v5;
	(ifvalue) =	ssetifvalue $0x7FFFFFFF  }
0x43: {  	v4 =	vshll.u32 v4, $0x7;
	v2 =	vand.u32 $0xFFFFFC00, v2;
	v5 =	vadd.s32 v6, v7;
	[tilespmem:s14], [sflag:$0x1] =	stream.indirect_vreg.gather [hbm4b:s4+s10], $0x1, v1, vm0, $0x4038;
	[tilespmem:$0x2000] =	vst v63  }
0x44: {  	s17 =	sadd.s32 $0x10, s17;
	vm1 =	veq.s32 v3, $0x80000000;
	v1 =	vand.u32 $0x380, v4;
	v0 =	vmovc v3;
	v2 =	vadd.s32 v2, v5  }
.Ltmp4:
0x45: {  	_ = 	snop;
	(pc) =	sbr.rel .LBB2_4-.Ltmp4, $1  }
0x46: {  	_ =	sdelay $0x3  }
.LBB2_6:
0x47: {  	_ =	sfence.sel $0x180000  }
0x48: {  	s2 =	simm.s32 $0x2;
	[bflag:$0x0] =	sbarrier.arrive $0xFFFF  }
0x49: {  	s30 =	simm.s32 $0x3;
	[sflag:s2] =	ssyncpa.u1 $0x1  }
0x4a: {  	s31 =	simm.s32 $0x1;
	[sflag:s30] =	ssyncpa.u1 $0x1  }
0x4b: {  	[sflag:s31] =	ssyncpa.u1 $0x1  }
0x4c: {  	p0 =	sne.s32 s0, $0x0;
	_ =	strace $0x9000004D  }
0x4d: {  	s0 =	sadd.s32 @!p0 $0x100000, s1;
	[bflag:$0x2] =	sbarrier.arrive $0xFFFF  }
0x4e: {  	[sflag:s0] =	ssyncadd.tile.s32 @!p0 $0x1;
	_ =	shalt  }
.Lfunc_end2:
_tile_overlayer_lowered:
.L_overlay_start_2:
0x4f: {  	(tag) =	ssettag $0x2  }
0x50: {  	s0 =	rddreg [dreg:$0x0];
	s2 =	stileid.u32  }
0x51: {  	s1 =	rddreg [dreg:$0x1];
	p0 =	sne.s32 s2, $0x0  }
0x52: {  	s3 =	rddreg [dreg:$0x2];
	[bflag:$0x3] =	sbarrier.arrive $0xFFFF;
	s2 =	simm.s32 @!p0 $0x1C01  }
0x53: {  	[timem:s3], [sflag:s2] =	dma.local @!p0 [hbm:s0], s1  }
0x54: {  	s0 =	simm.s32 @!p0 $0x1  }
0x55: {  	_ =	swait.ge @!p0 [sflag:s0], s1  }
0x56: {  	s1 =	ssub.s32 @!p0 $0x0, s1;
	[sflag:s0] =	ssyncset.done @!p0 $0x0  }
0x57: {  	[sflag:s0] =	ssyncadd.s32 @!p0 s1  }
0x58: {  	[bflag:$0x3] =	sbarrier.arrive $0xFFFF  }
0x59: {  	_ =	shalt  }

// kernel: gather_offload_async_start
scs
__scs_entry_jumppad:
0x0: {  	(pc) =	sbr.rel $0x88, $3  }
0x1: {  	(tag) =	ssettag $0x0;
	lr =	simm.s32 $0x1  }
0x2: {  	[smem:$0x3F5A] =	sst lr;
	_ =	strace $0xD0000000  }
0x3: {  	_ = 	snop  }
0x4: {  	_ = 	snop  }
0x5: {  	_ = 	snop  }
0x6: {  	_ = 	snop  }
0x7: {  	_ = 	snop  }
__scs_overlays_trampoline_lowered:
0x8: {  	[smem:$0x3F69] =	sst s0  }
0x9: {  	[smem:$0x3F6A] =	sst s1  }
0xa: {  	[smem:$0x3F6B] =	sst s2  }
0xb: {  	[smem:$0x3F6C] =	sst s3  }
0xc: {  	[smem:$0x3F6D] =	sst s4  }
0xd: {  	[smem:$0x3F6E] =	sst s5  }
0xe: {  	[smem:$0x3F6F] =	sst s6  }
0xf: {  	[smem:$0x3F70] =	sst s7  }
0x10: {  	[smem:$0x3F71] =	sst s8  }
0x11: {  	[smem:$0x3F72] =	sst s9;
	s0 =	simm.s32 @!p0 $0x0  }
0x12: {  	s1 =	sld [smem:$0x3F58];
	s0 =	simm.s32 @p0 $0x1  }
0x13: {  	[smem:$0x3F73] =	sst s0;
	s0 =	simm.s32 @!p1 $0x0  }
0x14: {  	s2 =	sld [smem:$0x3F57];
	s0 =	simm.s32 @p1 $0x1  }
0x15: {  	[smem:$0x3F74] =	sst s0;
	s0 =	simm.s32 @!p2 $0x0  }
0x16: {  	s3 =	sld [smem:$0x3FDB];
	s0 =	simm.s32 @p2 $0x1  }
0x17: {  	s4 =	simm.s32 $0x1BF5;
	[smem:$0x3F76] =	sst s0  }
0x18: {  	s0 =	sld [smem:$0x3F59];
	_ =	swait.ge [sflag:s4], $0x0  }
0x19: {  	s7 =	sld [smem:$0x3F5A]  }
0x1a: {  	s8 =	sadd.s32 $0xFFFFE003, lr  }
0x1b: {  	s9 =	sadd.s32 $0xFFFFFEF7, lr;
	s5 =	simm.s32 $0xFFFFFFFF;
	p2 =	slt.u32 s8, $0xFFFFF086  }
0x1c: {  	p1 =	slt.u32 s9, $0xF7A;
	s5 =	simm.s32 @!p2 $0x0  }
0x1d: {  	s5 =	simm.s32 @p1 $0x1;
	p0 =	seq.s32 s7, s2  }
0x1e: {  	s7 =	smul.u32 @!p0 $0xF7A, s2;
	p2 =	seq.s32 @!p0 s5, $0x0  }
0x1f: {  	s9 =	smul.u32 $0xF7A, s1;
	s8 =	simm.s32 @!p0 $0x1BF5;
	p2 =	por !p2, p0  }
0x20: {  	[sflag:s8] =	ssyncset.s32 @!p0 $0xFFFFF086;
	s6 =	sadd.s32 @!p0 s3, s7;
	s7 =	simm.s32 @!p0 $0x108  }
0x21: {  	s3 =	sadd.s32 s3, s9;
	s6 =	sadd.s32 @!p0 $0x88, s6;
	s7 =	simm.s32 @p2 $0x1082  }
0x22: {  	[simem:s7], [sflag:s8] =	dma.local @!p0 [hbm:s6], $0xF7A  }
0x23: {  	s9 =	sor.u32 $0xD0000000, s2;
	s6 =	simm.s32 $0x108;
	_ =	swait.ge @!p0 [sflag:s8], $0x0  }
0x24: {  	s3 =	sadd.s32 $0x88, s3;
	s6 =	simm.s32 @!p1 $0x1082;
	[sflag:s4] =	ssyncset.s32 $0xFFFFF086  }
0x25: {  	[simem:s6], [sflag:s4] =	dma.local [hbm:s3], $0xF7A  }
0x26: {  	[smem:$0x3F5A] =	sst s1;
	(tag) =	ssettag s2;
	_ =	strace s9  }
0x27: {  	s1 =	sld [smem:$0x3F6A]  }
0x28: {  	s2 =	sld [smem:$0x3F6B]  }
0x29: {  	s4 =	sld [smem:$0x3F6D]  }
0x2a: {  	p0 =	seq.s32 s5, $0x0;
	s5 =	sld [smem:$0x3F6E]  }
0x2b: {  	s6 =	sld [smem:$0x3F6F]  }
0x2c: {  	s7 =	sld [smem:$0x3F70]  }
0x2d: {  	s3 =	simm.s32 $0x108;
	s8 =	sld [smem:$0x3F71]  }
0x2e: {  	s3 =	simm.s32 @!p0 $0x1082;
	s9 =	sld [smem:$0x3F72]  }
0x2f: {  	lr =	sadd.s32 s0, s3;
	s0 =	sld [smem:$0x3F69]  }
0x30: {  	s3 =	sld [smem:$0x3F6C]  }
0x31: {  	[smem:$0x3F75] =	sst s10  }
0x32: {  	s10 =	sld [smem:$0x3F73];
	_ =	sdelay $0x3  }
0x33: {  	p0 =	seq.s32 s10, $0x1;
	s10 =	sld [smem:$0x3F75];
	_ =	sdelay $0x3  }
0x34: {  	[smem:$0x3F75] =	sst s10  }
0x35: {  	s10 =	sld [smem:$0x3F74];
	_ =	sdelay $0x3  }
0x36: {  	p1 =	seq.s32 s10, $0x1;
	s10 =	sld [smem:$0x3F75];
	_ =	sdelay $0x3  }
0x37: {  	[smem:$0x3F75] =	sst s10  }
0x38: {  	s10 =	sld [smem:$0x3F76]  }
0x39: {  	_ = 	snop;
	(pc) =	sbr.ind lr, $3  }
0x3a: {  	_ = 	snop  }
0x3b: {  	_ = 	snop  }
0x3c: {  	p2 =	seq.s32 s10, $0x1;
	s10 =	sld [smem:$0x3F75]  }
0x3d: {  	_ =	shalt  }
0x3e: {  	_ =	shalt  }
0x3f: {  	_ =	shalt  }
0x40: {  	_ =	shalt  }
0x41: {  	_ =	shalt  }
0x42: {  	_ =	shalt  }
0x43: {  	_ =	shalt  }
0x44: {  	_ =	shalt  }
0x45: {  	_ =	shalt  }
0x46: {  	_ =	shalt  }
0x47: {  	_ =	shalt  }
0x48: {  	_ =	shalt  }
0x49: {  	_ =	shalt  }
0x4a: {  	_ =	shalt  }
0x4b: {  	_ =	shalt  }
0x4c: {  	_ =	shalt  }
0x4d: {  	_ =	shalt  }
0x4e: {  	_ =	shalt  }
0x4f: {  	_ =	shalt  }
0x50: {  	_ =	shalt  }
0x51: {  	_ =	shalt  }
0x52: {  	_ =	shalt  }
0x53: {  	_ =	shalt  }
0x54: {  	_ =	shalt  }
0x55: {  	_ =	shalt  }
0x56: {  	_ =	shalt  }
0x57: {  	_ =	shalt  }
0x58: {  	_ =	shalt  }
0x59: {  	_ =	shalt  }
0x5a: {  	_ =	shalt  }
0x5b: {  	_ =	shalt  }
0x5c: {  	_ =	shalt  }
0x5d: {  	_ =	shalt  }
0x5e: {  	_ =	shalt  }
0x5f: {  	_ =	shalt  }
0x60: {  	_ =	shalt  }
0x61: {  	_ =	shalt  }
0x62: {  	_ =	shalt  }
0x63: {  	_ =	shalt  }
0x64: {  	_ =	shalt  }
0x65: {  	_ =	shalt  }
0x66: {  	_ =	shalt  }
0x67: {  	_ =	shalt  }
0x68: {  	_ =	shalt  }
0x69: {  	_ =	shalt  }
0x6a: {  	_ =	shalt  }
0x6b: {  	_ =	shalt  }
0x6c: {  	_ =	shalt  }
0x6d: {  	_ =	shalt  }
0x6e: {  	_ =	shalt  }
0x6f: {  	_ =	shalt  }
0x70: {  	_ =	shalt  }
0x71: {  	_ =	shalt  }
0x72: {  	_ =	shalt  }
0x73: {  	_ =	shalt  }
0x74: {  	_ =	shalt  }
0x75: {  	_ =	shalt  }
0x76: {  	_ =	shalt  }
0x77: {  	_ =	shalt  }
0x78: {  	_ =	shalt  }
0x79: {  	_ =	shalt  }
0x7a: {  	_ =	shalt  }
0x7b: {  	_ =	shalt  }
0x7c: {  	_ =	shalt  }
0x7d: {  	_ =	shalt  }
0x7e: {  	_ =	shalt  }
0x7f: {  	_ =	shalt  }
0x80: {  	_ =	shalt  }
0x81: {  	_ =	shalt  }
0x82: {  	_ =	shalt  }
0x83: {  	_ =	shalt  }
0x84: {  	_ =	shalt  }
0x85: {  	_ =	shalt  }
0x86: {  	_ =	shalt  }
0x87: {  	_ =	shalt  }
.Lfunc_end0:
.L_simem_size_0:
called_computation_lowered:
.L_overlay_start_0:
0x88: {  	s2 =	sld [smem:$0x3FD9]  }
0x89: {  	s3 =	sld [smem:$0x3FFE];
	_ =	sdelay $0x1  }
0x8a: {  	s1 =	srdreg.scid  }
0x8b: {  	s0 =	sand.u32 $0x1, s1  }
0x8c: {  	s17 =	sshll.u32 s0, $0xA;
	s2 =	sadd.s32 s3, s2  }
0x8d: {  	s2 =	sadd.s32 s2, s17  }
0x8e: {  	[smem:$0x3F81] =	sst s2  }
0x8f: {  	_ = 	snop  }
0x90: {  	s2 =	sld [smem:$0x3FD0];
	(tm) =	ssettm $0x1  }
0x91: {  	s18 =	sld [smem:$0x3FFB];
	_ =	sdelay $0x3  }
0x92: {  	_ =	strace s18  }
0x93: {  	s3 =	sld [smem:$0x3FFC];
	_ =	sdelay $0x3  }
0x94: {  	_ =	strace s3  }
0x95: {  	s3 =	sld [smem:$0x3FFD];
	_ =	sdelay $0x3  }
0x96: {  	_ =	strace s3  }
0x97: {  	_ =	strace $0x8FFFFFFF  }
0x98: {  	s19 =	sld [smem:$0x3FDB];
	_ =	sdelay $0x1  }
0x99: {  	s4 =	simm.s32 $_scs_section_size  }
0x9a: {  	s5 =	simm.s32 $_size__tile_overlayer_lowered;
	s6 =	simm.s32 $_tile_overlayer_lowered  }
0x9b: {  	s22 =	simm.s32 $0x1BFF;
	s21 =	sshll.u32 s6, $0x1;
	s3 =	sadd.s32 s4, s19  }
0x9c: {  	s7 =	simm.s32 $0x0;
	s20 =	sshll.u32 s5, $0x1;
	s5 =	sadd.s32 s21, s3  }
0x9d: {  	[timem:s7], [sflag:s22] =	dma.local [hbm:s5], s20  }
0x9e: {  	_ =	swait.ge [sflag:s22], s20  }
0x9f: {  	s4 =	ssub.s32 $0x0, s20;
	[sflag:s22] =	ssyncset.done $0x0  }
0xa0: {  	[sflag:s22] =	ssyncadd.s32 s4;
	_ =	sdelay $0x1  }
0xa1: {  	s23 =	simm.s32 $0x1B8B  }
0xa2: {  	_ =	swait.ge [sflag:s23], $0x1  }
0xa3: {  	[sflag:s23] =	ssyncset.done $0x0  }
0xa4: {  	s25 =	simm.s32 $0x1B8E;
	s24 =	sld [smem:$0x3FFE];
	[sflag:s23] =	ssyncadd.s32 $0xFFFFFFFF  }
0xa5: {  	s26 =	simm.s32 $execute0_lowered;
	[smem:$0x3FD2] =	sst s25  }
0xa6: {  	s5 =	sshll.u32 s26, $0x1;
	_ =	strace $0x80000046;
	[dreg:$0x1] =	wrdreg $0xFFFFFFFF  }
0xa7: {  	s28 =	simm.s32 $_size_execute0_lowered;
	s3 =	sadd.s32 s3, s5;
	[dreg:$0x0] =	wrdreg $0x0  }
0xa8: {  	s5 =	sshll.u32 s28, $0x1;
	[dreg:$0x2] =	wrdreg s3  }
0xa9: {  	[dreg:$0x3] =	wrdreg s5  }
0xaa: {  	[dreg:$0x4] =	wrdreg $0xC0  }
0xab: {  	_ =	task [dreg:s7], $0x5FFFF  }
0xac: {  	[dreg:$0x1] =	wrdreg $0xFFFFFFFF  }
0xad: {  	[dreg:$0x0] =	wrdreg $0x60  }
0xae: {  	[dreg:$0x2] =	wrdreg s24  }
0xaf: {  	[dreg:$0x3] =	wrdreg s2  }
0xb0: {  	[dreg:$0x4] =	wrdreg $0x9  }
0xb1: {  	_ =	task.clear_ibuf [dreg:s7], $0x5FFFF;
	_ =	strace $0x90000046  }
0xb2: {  	s29 =	simm.s32 $0x9;
	_ =	strace $0x80000048  }
0xb3: {  	_ =	swait.ge [sflag:s29], $0x1  }
0xb4: {  	[sflag:s29] =	ssyncadd.s32 $0xFFFFFFFF  }
0xb5: {  	_ =	strace $0x90000048  }
0xb6: {  	_ =	sfence  }
0xb7: {  	s30 =	sld [smem:$0x0];
	_ =	sdelay $0x2  }
0xb8: {  	s31 =	sshll.u32 s1, $0xD;
	s1 =	sshrl.u32 s1, $0x2  }
0xb9: {  	s3 =	sand.u32 $0x4000, s31;
	s1 =	sadd.s32 s1, s30  }
0xba: {  	s0 =	sor.u32 s3, s0;
	s1 =	sshll.u32 s1, $0x11  }
0xbb: {  	s0 =	sor.u32 s1, s0  }
0xbc: {  	s0 =	sadd.s32 $0x8F2B, s0  }
0xbd: {  	[sflag:s0] =	ssyncadd.remote.s32 $0x1  }
0xbe: {  	_ =	sfence.sel $0xFFFF  }
0xbf: {  	[dreg:$0x0] =	wrdreg $0xFFFFFFFF;
	(pc) =	sbr.abs _section_cstart, $3  }
0xc0: {  	[dreg:$0x1] =	wrdreg $0xFFFFFFFF  }
0xc1: {  	_ =	task.clear_ibuf [dreg:s7], $0x2FFFF;
	_ =	strace $0x9FFFFFFF  }
0xc2: {  	(tm) =	ssettm $0x7FFFFFFF  }
0xc3: {  	_ =	shalt  }
tec
execute0_lowered:
.L_overlay_start_1:
0x0: {  	(tag) =	ssettag $0x1  }
0x1: {  	s2 =	rddreg [dreg:$0x0]  }
0x2: {  	s3 =	rddreg [dreg:$0x1]  }
0x3: {  	s0 =	rddreg [dreg:$0x2];
	s1 =	srdreg.scid;
	_ =	strace $0x80000047  }
0x4: {  	s4 =	simm.s32 $0x1;
	s9 =	simm.s32 $0x3;
	s5 =	sshll.u32 s1, $0x4  }
.Ltmp0:
0x5: {  	s1 =	stileid.u32;
	s5 =	sand.u32 $0x10, s5;
	(pc) =	sbr.rel .LBB2_1-.Ltmp0, $4  }
0x6: {  	s12 =	simm.s32 $0x0;
	s10 =	simm.s32 $0x0;
	s6 =	sor.u32 s1, s5  }
0x7: {  	[sflag:s4] =	ssyncpa.u1 $0x0;
	s5 =	simm.s32 $0x2;
	s6 =	sshll.u32 s6, $0x7  }
0x8: {  	s7 =	sadd.s32 $0x80000, s2;
	[sflag:s5] =	ssyncpa.u1 $0x0;
	s8 =	sadd.s32 $0x80, s6  }
0x9: {  	vm0 =	vmmov $0xff;
	vm1 =	vcmask $0x3F20;
	[sflag:s9] =	ssyncpa.u1 $0x0;
	s9 =	simm.s32 $0x80;
	s11 =	smov.u32 s6  }
.LBB2_9:
0xa: {  	p0 =	seq.s32 s10, $0x2  }
.Ltmp1:
0xb: {  	_ = 	snop;
	(pc) =	sbr.rel @p0 .LBB2_11-.Ltmp1, $1  }
0xc: {  	_ =	sdelay $0x3  }
.LBB2_10:
0xd: {  	s12 =	sadd.s32 $0x80, s11  }
0xe: {  	s13 =	smov.u32 s6;
	p0 =	slt.s32 s12, s8  }
0xf: {  	s13 =	smov.u32 @p0 s12  }
0x10: {  	s10 =	sadd.s32 $0x1, s10;
	s12 =	smov.u32 s11;
	s11 =	smov.u32 s13  }
.LBB2_1:
0x11: {  	p0 =	sne.s32 s10, $0x0  }
.Ltmp2:
0x12: {  	_ = 	snop;
	(pc) =	sbr.rel @!p0 .LBB2_2-.Ltmp2, $1  }
0x13: {  	_ =	sdelay $0x3  }
0x14: {  	s13 =	sand.u32 $0x1, s10  }
0x15: {  	p0 =	seq.s32 s13, $0x0  }
.Ltmp3:
0x16: {  	_ = 	snop;
	(pc) =	sbr.rel @p0 .LBB2_9-.Ltmp3, $1  }
0x17: {  	_ =	sdelay $0x3  }
0x18: {  	_ =	swait.ge [sflag:s5], $0x80  }
0x19: {  	[sflag:s5] =	ssyncset.done $0x0  }
0x1a: {  	s13 =	simm.s32 $0x0;
	[sflag:s5] =	ssyncadd.s32 $0xFFFFFF80  }
0x1b: {  	v0 =	vld.msk [tilespmem:s13+$0x80 ss:$0x1], $0xffff;
	_ =	sdelay $0x4  }
0x1c: {  	v1 =	vshll.u32 v0, $0x4  }
0x1d: {  	vm2 =	veq.s32 v0, $0x80000000;
	v0 =	vshll.u32 v0, $0x13;
	v1 =	vand.u32 $0x7FF80, v1  }
0x1e: {  	v0 =	vand.u32 $0x380000, v0;
	v1 =	vsel vm2, $0xFFFFFF80, v1  }
0x1f: {  	v0 =	vsel vm2, $0xFFF80000, v0;
	v2 =	vand.u32 $0xFFFFFC00, v1  }
0x20: {  	v1 =	vand.u32 $0x380, v1;
	v0 =	vadd.s32 v0, v2  }
0x21: {  	v0 =	vor.u32 v1, v0  }
0x22: {  	v0 =	vshrl.u32 v0, $0x3;
	_ =	sdelay $0x3  }
0x23: {  	s13 =	simm.s32 $0x4100  }
0x24: {  	[tilespmem:s13], [sflag:$0x1] =	stream.indirect_vreg.gather [hbm:s2], $0x80, v0, vm0, $0x38;
	[tilespmem:$0x8100] =	vst v63  }
0x25: {  	s14 =	simm.s32 $0x4500;
	s31 =	simm.s32 $0x10  }
0x26: {  	[tilespmem:s14], [sflag:$0x1] =	stream.indirect_vreg.gather [hbm:s2], $0x80, v0, vm1, $0x38;
	[tilespmem:$0x8100] =	vst v63  }
0x27: {  	s14 =	simm.s32 $0x80;
	v0 =	vld.msk [tilespmem:s31+$0x80 ss:$0x1], $0xffff  }
.LBB2_5:
0x28: {  	p0 =	sne.s32 s14, $0x1C0;
	_ =	sdelay $0x4  }
0x29: {  	v1 =	vshll.u32 v0, $0x4  }
0x2a: {  	vm2 =	veq.s32 v0, $0x80000000;
	v0 =	vshll.u32 v0, $0x13;
	v1 =	vand.u32 $0x7FF80, v1  }
0x2b: {  	v0 =	vand.u32 $0x380000, v0;
	v1 =	vsel vm2, $0xFFFFFF80, v1  }
0x2c: {  	v0 =	vsel vm2, $0xFFF80000, v0;
	v2 =	vand.u32 $0xFFFFFC00, v1  }
0x2d: {  	v1 =	vand.u32 $0x380, v1;
	v0 =	vadd.s32 v0, v2  }
0x2e: {  	v0 =	vor.u32 v1, v0  }
0x2f: {  	v0 =	vshrl.u32 v0, $0x3;
	_ =	sdelay $0x3  }
.Ltmp4:
0x30: {  	s13 =	sadd.s32 $0x800, s13;
	(pc) =	sbr.rel @p0 .LBB2_5-.Ltmp4, $4  }
0x31: {  	[tilespmem:s13], [sflag:$0x1] =	stream.indirect_vreg.gather [hbm:s2], $0x80, v0, vm0, $0x38;
	[tilespmem:$0x8100] =	vst v63  }
0x32: {  	s15 =	sshra.s32 s14, $0x2;
	s16 =	sadd.s32 $0x400, s13  }
0x33: {  	[tilespmem:s16], [sflag:$0x1] =	stream.indirect_vreg.gather [hbm:s2], $0x80, v0, vm1, $0x38;
	[tilespmem:$0x8100] =	vst v63  }
0x34: {  	s14 =	sadd.s32 $0x40, s14;
	v0 =	vld.msk [tilespmem:s15+$0x80 ss:$0x1], $0xffff  }
0x35: {  	_ =	sdelay $0x3  }
0x36: {  	v1 =	vshll.u32 v0, $0x4  }
0x37: {  	vm2 =	veq.s32 v0, $0x80000000;
	v63 =	vshll.u32 v0, $0x13;
	v1 =	vand.u32 $0x7FF80, v1  }
0x38: {  	v0 =	vand.u32 $0x380000, v63;
	v1 =	vsel vm2, $0xFFFFFF80, v1  }
0x39: {  	v0 =	vsel vm2, $0xFFF80000, v0;
	v2 =	vand.u32 $0xFFFFFC00, v1  }
0x3a: {  	v1 =	vand.u32 $0x380, v1;
	v0 =	vadd.s32 v0, v2  }
0x3b: {  	v0 =	vor.u32 v1, v0  }
0x3c: {  	v0 =	vshrl.u32 v0, $0x3;
	_ =	sdelay $0x3  }
0x3d: {  	s13 =	sadd.s32 $0x800, s13  }
0x3e: {  	[tilespmem:s13], [sflag:$0x1] =	stream.indirect_vreg.gather [hbm:s2], $0x80, v0, vm0, $0x38;
	[tilespmem:$0x8100] =	vst v63  }
0x3f: {  	s13 =	sadd.s32 $0x400, s13  }
0x40: {  	[tilespmem:s13], [sflag:$0x1] =	stream.indirect_vreg.gather [hbm:s2], $0x80, v0, vm1, $0x38;
	[tilespmem:$0x8100] =	vst v63  }
0x41: {  	s12 =	sshll.u32 s12, $0x4;
	s14 =	simm.s32 $0x80;
	_ =	swait.ge [sflag:s4], $0x4000  }
0x42: {  	s15 =	simm.s32 $0x4500;
	s12 =	sadd.s32 s12, s7;
	[sflag:s4] =	ssyncset.done $0x0  }
0x43: {  	s16 =	sadd.s32 $0x0, s12;
	s13 =	simm.s32 $0x4100;
	[sflag:s4] =	ssyncadd.s32 $0xFFFFC000  }
.LBB2_7:
0x44: {  	[hbm:s16] =	stream.linear.scatter [tilespmem:s13], [sflag:$0x3], $0x400, $0x38;
	[tilespmem:$0x8100] =	vst v63  }
0x45: {  	s16 =	smov.u32 s14;
	s13 =	smov.u32 s15;
	p0 =	sne.s32 s14, $0x780  }
.Ltmp5:
0x46: {  	s14 =	sadd.s32 $0x80, s14;
	(pc) =	sbr.rel @p0 .LBB2_7-.Ltmp5, $2  }
0x47: {  	_ =	sdelay $0x2  }
0x48: {  	s15 =	sadd.s32 $0x400, s15;
	s16 =	sadd.s32 s16, s12  }
.Ltmp6:
0x49: {  	(pc) =	sbr.rel .LBB2_9-.Ltmp6, $2  }
0x4a: {  	_ =	sdelay $0x2  }
0x4b: {  	[hbm:s16] =	stream.linear.scatter [tilespmem:s13], [sflag:$0x3], $0x400, $0x38;
	[tilespmem:$0x8100] =	vst v63  }
.LBB2_2:
.Ltmp7:
0x4c: {  	(pc) =	sbr.rel .LBB2_10-.Ltmp7, $4  }
0x4d: {  	_ = 	snop  }
0x4e: {  	s12 =	sshrl.u32 s11, $0x3  }
0x4f: {  	s13 =	sand.u32 $0x7, s11;
	s12 =	sadd.s32 s3, s12  }
0x50: {  	[tilespmem:s9], [sflag:$0x2] =	stream.linear.gather [hbm4b:s12+s13], $0x80, $0x38;
	[tilespmem:$0x8100] =	vst v63  }
.LBB2_11:
0x51: {  	s2 =	simm.s32 $0x3  }
0x52: {  	_ =	swait.ge [sflag:s2], $0x4000  }
0x53: {  	[sflag:s2] =	ssyncset.done $0x0  }
0x54: {  	[sflag:s2] =	ssyncadd.s32 $0xFFFFC000  }
0x55: {  	_ =	sfence.sel $0x180000  }
0x56: {  	s3 =	simm.s32 $0x2;
	[bflag:$0x0] =	sbarrier.arrive $0xFFFF  }
0x57: {  	[sflag:s3] =	ssyncpa.u1 $0x1  }
0x58: {  	s31 =	simm.s32 $0x1;
	[sflag:s2] =	ssyncpa.u1 $0x1  }
0x59: {  	[sflag:s31] =	ssyncpa.u1 $0x1  }
0x5a: {  	p0 =	sne.s32 s1, $0x0;
	_ =	strace $0x90000047  }
0x5b: {  	s0 =	sadd.s32 @!p0 $0x100000, s0;
	[bflag:$0x2] =	sbarrier.arrive $0xFFFF  }
0x5c: {  	[sflag:s0] =	ssyncadd.tile.s32 @!p0 $0x1;
	_ =	shalt  }
.Lfunc_end2:
_tile_overlayer_lowered:
.L_overlay_start_2:
0x5d: {  	(tag) =	ssettag $0x2  }
0x5e: {  	s0 =	rddreg [dreg:$0x0];
	s2 =	stileid.u32  }
0x5f: {  	s1 =	rddreg [dreg:$0x1];
	p0 =	sne.s32 s2, $0x0  }
0x60: {  	s3 =	rddreg [dreg:$0x2];
	[bflag:$0x3] =	sbarrier.arrive $0xFFFF;
	s2 =	simm.s32 @!p0 $0x1C01  }
0x61: {  	[timem:s3], [sflag:s2] =	dma.local @!p0 [hbm:s0], s1  }
0x62: {  	s0 =	simm.s32 @!p0 $0x1  }
0x63: {  	_ =	swait.ge @!p0 [sflag:s0], s1  }
0x64: {  	s1 =	ssub.s32 @!p0 $0x0, s1;
	[sflag:s0] =	ssyncset.done @!p0 $0x0  }
0x65: {  	[sflag:s0] =	ssyncadd.s32 @!p0 s1  }
0x66: {  	[bflag:$0x3] =	sbarrier.arrive $0xFFFF  }
0x67: {  	_ =	shalt  }

</sc_bundles>
